<compile_context>
chip_gen: v7x
topology: tpu7x:2x2x1
jax: 0.10.2.dev20260603
libtpu: 0.0.44.dev20260713+nightly
codegen_flags: <defaults>
</compile_context>

<pallas_src>
import functools

import jax
import jax.numpy as jnp
from jax import lax
from jax.experimental import pallas as pl
from jax.experimental.pallas import tpu as pltpu
from jax.experimental.pallas import tpu_sc as plsc

_CH = 128
_G = 5
_NSLOT = 2


def _make_gather(n: int, n_ch: int, d: int):
    info = plsc.get_sparse_core_info()
    nc, ns = info.num_cores, info.num_subcores
    mesh = plsc.VectorSubcoreMesh(core_axis_name="c", subcore_axis_name="s")
    n_grp = n_ch // _G
    grp_rows = _G * _CH

    @functools.partial(
        pl.kernel,
        mesh=mesh,
        out_type=jax.ShapeDtypeStruct((n, d), jnp.float32),
        scratch_types=[
            pltpu.VMEM((n_ch, _CH), jnp.int32),
            pltpu.VMEM((_NSLOT, grp_rows, d), jnp.float32),
            [pltpu.SemaphoreType.DMA] * _NSLOT,
            [pltpu.SemaphoreType.DMA] * _NSLOT,
        ],
        compiler_params=pltpu.CompilerParams(use_tc_tiling_on_sc=False),
    )
    def k(idx_hbm, table_hbm, out_hbm, idx_v, rows_v, gsems, osems):
        wid = lax.axis_index("s") * nc + lax.axis_index("c")
        pltpu.sync_copy(idx_hbm.at[pl.ds(wid * n_ch, n_ch)], idx_v)

        def fire(g, s):
            for q in range(_G):
                pltpu.async_copy(
                    table_hbm.at[idx_v.at[g * _G + q]],
                    rows_v.at[s].at[pl.ds(q * _CH, _CH)],
                    gsems[s],
                )

        def drain(ref, sem):
            pltpu.make_async_copy(
                out_hbm.at[pl.ds(0, grp_rows)], ref, sem
            ).wait()

        fire(0, 0)

        def step(r, carry):
            for s in range(_NSLOT):
                g = r * _NSLOT + s
                s2 = (s + 1) % _NSLOT

                @pl.when(g + 1 < n_grp)
                def _():
                    @pl.when(g + 1 >= _NSLOT)
                    def _():
                        drain(rows_v.at[s2], osems[s2])

                    fire(g + 1, s2)

                drain(rows_v.at[s], gsems[s])
                pltpu.async_copy(
                    rows_v.at[s],
                    out_hbm.at[pl.ds((wid * n_ch + g * _G) * _CH, grp_rows)],
                    osems[s],
                )
            return carry

        lax.fori_loop(0, n_grp // _NSLOT, step, 0)
        for s in range(_NSLOT):
            drain(rows_v.at[s], osems[s])

    return k


def kernel(indices, table):
    b, l = indices.shape
    v, d = table.shape
    n = b * l
    nw = 32
    n_ch = n // (nw * _CH)
    idx2d = indices.reshape(nw * n_ch, _CH).astype(jnp.int32)
    gather = _make_gather(n, n_ch, d)
    out = gather(idx2d, table)
    return out.reshape(b, l, d)

# --- scband reference (transcript-rebuilt; emitter-appended) ---
"""Pipeline reference for scband-word-embedding-49151605735969 (READ-ONLY COPY).

The authoritative reference and input builder live on the scoring server;
editing this copy changes nothing except your own understanding.
"""

import jax, jax.numpy as jnp
import numpy as np

VOCAB = 1000000
N_WORD = 64
B = 16384
L = 50

def setup_inputs(seed: int = 0) -> dict:
    key = jax.random.key(seed)
    k1, k2 = jax.random.split(key)
    indices = jax.random.randint(k1, (B, L), 0, VOCAB, dtype=jnp.int64 if jax.config.jax_enable_x64 else jnp.int32)
    table = jax.random.normal(k2, (VOCAB, N_WORD), dtype=jnp.float32)
    return {"indices": indices, "table": table}

def reference(indices, table):
    # Faithful translation of the trainable branch of str_list_to_batch:
    # val_inp_var = self.embedding(val_tok_var)
    # i.e., a row-gather from the embedding table by token indices.
    emb = jnp.take(table, indices, axis=0)  # [B, L, N_word]
    return emb

if __name__ == "__main__":
    import jax
    _d = setup_inputs()
    print(jax.jit(kernel)(*tuple(_d.values())))

</pallas_src>

<mosaic_0001>
#map = affine_map<(d0, d1) -> (0, 0)>
module attributes {stable_mosaic.version = 14 : i64} {
  func.func @k(%arg0: i32, %arg1: i32, %arg2: memref<6400x128xi32, #tpu.memory_space<hbm>>, %arg3: memref<1000000x64xf32, #tpu.memory_space<hbm>>, %arg4: memref<819200x64xf32, #tpu.memory_space<hbm>>, %arg5: memref<200x128xi32, #tpu.memory_space<vmem>>, %arg6: memref<2x640x64xf32, #tpu.memory_space<vmem>>, %arg7: memref<!tpu.dma_semaphore, #tpu.memory_space<semaphore_mem>>, %arg8: memref<!tpu.dma_semaphore, #tpu.memory_space<semaphore_mem>>, %arg9: memref<!tpu.dma_semaphore, #tpu.memory_space<semaphore_mem>>, %arg10: memref<!tpu.dma_semaphore, #tpu.memory_space<semaphore_mem>>) attributes {dimension_semantics = [#tpu.dimension_semantics<core_parallel>, #tpu.dimension_semantics<subcore_parallel>], iteration_bounds = array<i64: 2, 16>, scalar_prefetch = 0 : i64, scratch_operands = 6 : i64, tpu.core_type = #tpu.core_type<sc_vector_subcore>, window_params = [{transform_indices = #map}, {transform_indices = #map}, {transform_indices = #map}]} {
    %mul3A = arith.constant 2 : i32
    %mul3A_0 = arith.muli %arg1, %mul3A : i32
    %add3A = arith.addi %mul3A_0, %arg0 : i32
    %mul3A_1 = arith.constant 200 : i32
    %mul3A_2 = arith.muli %add3A, %mul3A_1 : i32
    "tpu.region"() ({
      %run_scoped3A = tpu.sem_alloc : memref<!tpu.dma_semaphore, #tpu.memory_space<semaphore_mem>>
      %dma_start3A_111 = arith.constant 0 : i32
      %dma_start3A_112 = tpu.memref_slice %arg2[%mul3A_2, %dma_start3A_111] : memref<6400x128xi32, #tpu.memory_space<hbm>> -> memref<200x128xi32, #tpu.memory_space<hbm>>
      %dma_start3A_113 = arith.constant 0 : i32
      %dma_start3A_114 = tpu.memref_slice %arg2[%mul3A_2, %dma_start3A_113] : memref<6400x128xi32, #tpu.memory_space<hbm>> -> memref<200x128xi32, #tpu.memory_space<hbm>>
      tpu.enqueue_dma source(%dma_start3A_114 : memref<200x128xi32, #tpu.memory_space<hbm>>) target(%arg5 : memref<200x128xi32, #tpu.memory_space<vmem>>) target_semaphore(%run_scoped3A : memref<!tpu.dma_semaphore, #tpu.memory_space<semaphore_mem>>)
      %dma_wait3A_115 = arith.constant 0 : i32
      %dma_wait3A_116 = tpu.memref_slice %arg2[%mul3A_2, %dma_wait3A_115] : memref<6400x128xi32, #tpu.memory_space<hbm>> -> memref<200x128xi32, #tpu.memory_space<hbm>>
      %dma_wait3A_117 = arith.constant 0 : i32
      %dma_wait3A_118 = tpu.memref_slice %arg2[%mul3A_2, %dma_wait3A_117] : memref<6400x128xi32, #tpu.memory_space<hbm>> -> memref<200x128xi32, #tpu.memory_space<hbm>>
      tpu.wait_dma2 semaphore(%run_scoped3A : memref<!tpu.dma_semaphore, #tpu.memory_space<semaphore_mem>>) src(%dma_wait3A_118 : memref<200x128xi32, #tpu.memory_space<hbm>>) dst(%arg5 : memref<200x128xi32, #tpu.memory_space<vmem>>)
      tpu.yield
    }) : () -> ()
    %dma_start3A = arith.constant 0 : i32
    %dma_start3A_3 = arith.constant 0 : i32
    %dma_start3A_4 = arith.constant 0 : i32
    %dma_start3A_5 = arith.constant 0 : i32
    %dma_start3A_6 = tpu.memref_slice %arg6[%dma_start3A_3, %dma_start3A_4, %dma_start3A_5] : memref<2x640x64xf32, #tpu.memory_space<vmem>> -> memref<1x640x64xf32, #tpu.memory_space<vmem>>
    %dma_start3A_7 = tpu.memref_squeeze %dma_start3A_6 : memref<1x640x64xf32, #tpu.memory_space<vmem>> -> memref<640x64xf32, #tpu.memory_space<vmem>>
    %dma_start3A_8 = arith.constant 0 : i32
    %dma_start3A_9 = arith.constant 0 : i32
    %dma_start3A_10 = tpu.memref_slice %dma_start3A_7[%dma_start3A_8, %dma_start3A_9] : memref<640x64xf32, #tpu.memory_space<vmem>> -> memref<128x64xf32, #tpu.memory_space<vmem>>
    %dma_start3A_11 = arith.constant 0 : i32
    %dma_start3A_12 = tpu.memref_slice %arg5[%dma_start3A, %dma_start3A_11] : memref<200x128xi32, #tpu.memory_space<vmem>> -> memref<1x128xi32, #tpu.memory_space<vmem>>
    %dma_start3A_13 = tpu.memref_squeeze %dma_start3A_12 : memref<1x128xi32, #tpu.memory_space<vmem>> -> memref<128xi32, #tpu.memory_space<vmem>>
    %dma_start3A_14 = arith.constant 0 : i32
    %dma_start3A_15 = arith.constant 0 : i32
    %dma_start3A_16 = tpu.memref_slice %arg3[%dma_start3A_14, %dma_start3A_15] : memref<1000000x64xf32, #tpu.memory_space<hbm>> -> memref<1000000x64xf32, #tpu.memory_space<hbm>>
    tpu.enqueue_indirect_dma source(%dma_start3A_16 : memref<1000000x64xf32, #tpu.memory_space<hbm>>) target(%dma_start3A_10 : memref<128x64xf32, #tpu.memory_space<vmem>>) offsets(%dma_start3A_13 : memref<128xi32, #tpu.memory_space<vmem>>) semaphore(%arg7 : memref<!tpu.dma_semaphore, #tpu.memory_space<semaphore_mem>>)
    %dma_start3A_17 = arith.constant 1 : i32
    %dma_start3A_18 = arith.constant 0 : i32
    %dma_start3A_19 = arith.constant 0 : i32
    %dma_start3A_20 = arith.constant 0 : i32
    %dma_start3A_21 = tpu.memref_slice %arg6[%dma_start3A_18, %dma_start3A_19, %dma_start3A_20] : memref<2x640x64xf32, #tpu.memory_space<vmem>> -> memref<1x640x64xf32, #tpu.memory_space<vmem>>
    %dma_start3A_22 = tpu.memref_squeeze %dma_start3A_21 : memref<1x640x64xf32, #tpu.memory_space<vmem>> -> memref<640x64xf32, #tpu.memory_space<vmem>>
    %dma_start3A_23 = arith.constant 128 : i32
    %dma_start3A_24 = arith.constant 0 : i32
    %dma_start3A_25 = tpu.memref_slice %dma_start3A_22[%dma_start3A_23, %dma_start3A_24] : memref<640x64xf32, #tpu.memory_space<vmem>> -> memref<128x64xf32, #tpu.memory_space<vmem>>
    %dma_start3A_26 = arith.constant 0 : i32
    %dma_start3A_27 = tpu.memref_slice %arg5[%dma_start3A_17, %dma_start3A_26] : memref<200x128xi32, #tpu.memory_space<vmem>> -> memref<1x128xi32, #tpu.memory_space<vmem>>
    %dma_start3A_28 = tpu.memref_squeeze %dma_start3A_27 : memref<1x128xi32, #tpu.memory_space<vmem>> -> memref<128xi32, #tpu.memory_space<vmem>>
    %dma_start3A_29 = arith.constant 0 : i32
    %dma_start3A_30 = arith.constant 0 : i32
    %dma_start3A_31 = tpu.memref_slice %arg3[%dma_start3A_29, %dma_start3A_30] : memref<1000000x64xf32, #tpu.memory_space<hbm>> -> memref<1000000x64xf32, #tpu.memory_space<hbm>>
    tpu.enqueue_indirect_dma source(%dma_start3A_31 : memref<1000000x64xf32, #tpu.memory_space<hbm>>) target(%dma_start3A_25 : memref<128x64xf32, #tpu.memory_space<vmem>>) offsets(%dma_start3A_28 : memref<128xi32, #tpu.memory_space<vmem>>) semaphore(%arg7 : memref<!tpu.dma_semaphore, #tpu.memory_space<semaphore_mem>>)
    %dma_start3A_32 = arith.constant 2 : i32
    %dma_start3A_33 = arith.constant 0 : i32
    %dma_start3A_34 = arith.constant 0 : i32
    %dma_start3A_35 = arith.constant 0 : i32
    %dma_start3A_36 = tpu.memref_slice %arg6[%dma_start3A_33, %dma_start3A_34, %dma_start3A_35] : memref<2x640x64xf32, #tpu.memory_space<vmem>> -> memref<1x640x64xf32, #tpu.memory_space<vmem>>
    %dma_start3A_37 = tpu.memref_squeeze %dma_start3A_36 : memref<1x640x64xf32, #tpu.memory_space<vmem>> -> memref<640x64xf32, #tpu.memory_space<vmem>>
    %dma_start3A_38 = arith.constant 256 : i32
    %dma_start3A_39 = arith.constant 0 : i32
    %dma_start3A_40 = tpu.memref_slice %dma_start3A_37[%dma_start3A_38, %dma_start3A_39] : memref<640x64xf32, #tpu.memory_space<vmem>> -> memref<128x64xf32, #tpu.memory_space<vmem>>
    %dma_start3A_41 = arith.constant 0 : i32
    %dma_start3A_42 = tpu.memref_slice %arg5[%dma_start3A_32, %dma_start3A_41] : memref<200x128xi32, #tpu.memory_space<vmem>> -> memref<1x128xi32, #tpu.memory_space<vmem>>
    %dma_start3A_43 = tpu.memref_squeeze %dma_start3A_42 : memref<1x128xi32, #tpu.memory_space<vmem>> -> memref<128xi32, #tpu.memory_space<vmem>>
    %dma_start3A_44 = arith.constant 0 : i32
    %dma_start3A_45 = arith.constant 0 : i32
    %dma_start3A_46 = tpu.memref_slice %arg3[%dma_start3A_44, %dma_start3A_45] : memref<1000000x64xf32, #tpu.memory_space<hbm>> -> memref<1000000x64xf32, #tpu.memory_space<hbm>>
    tpu.enqueue_indirect_dma source(%dma_start3A_46 : memref<1000000x64xf32, #tpu.memory_space<hbm>>) target(%dma_start3A_40 : memref<128x64xf32, #tpu.memory_space<vmem>>) offsets(%dma_start3A_43 : memref<128xi32, #tpu.memory_space<vmem>>) semaphore(%arg7 : memref<!tpu.dma_semaphore, #tpu.memory_space<semaphore_mem>>)
    %dma_start3A_47 = arith.constant 3 : i32
    %dma_start3A_48 = arith.constant 0 : i32
    %dma_start3A_49 = arith.constant 0 : i32
    %dma_start3A_50 = arith.constant 0 : i32
    %dma_start3A_51 = tpu.memref_slice %arg6[%dma_start3A_48, %dma_start3A_49, %dma_start3A_50] : memref<2x640x64xf32, #tpu.memory_space<vmem>> -> memref<1x640x64xf32, #tpu.memory_space<vmem>>
    %dma_start3A_52 = tpu.memref_squeeze %dma_start3A_51 : memref<1x640x64xf32, #tpu.memory_space<vmem>> -> memref<640x64xf32, #tpu.memory_space<vmem>>
    %dma_start3A_53 = arith.constant 384 : i32
    %dma_start3A_54 = arith.constant 0 : i32
    %dma_start3A_55 = tpu.memref_slice %dma_start3A_52[%dma_start3A_53, %dma_start3A_54] : memref<640x64xf32, #tpu.memory_space<vmem>> -> memref<128x64xf32, #tpu.memory_space<vmem>>
    %dma_start3A_56 = arith.constant 0 : i32
    %dma_start3A_57 = tpu.memref_slice %arg5[%dma_start3A_47, %dma_start3A_56] : memref<200x128xi32, #tpu.memory_space<vmem>> -> memref<1x128xi32, #tpu.memory_space<vmem>>
    %dma_start3A_58 = tpu.memref_squeeze %dma_start3A_57 : memref<1x128xi32, #tpu.memory_space<vmem>> -> memref<128xi32, #tpu.memory_space<vmem>>
    %dma_start3A_59 = arith.constant 0 : i32
    %dma_start3A_60 = arith.constant 0 : i32
    %dma_start3A_61 = tpu.memref_slice %arg3[%dma_start3A_59, %dma_start3A_60] : memref<1000000x64xf32, #tpu.memory_space<hbm>> -> memref<1000000x64xf32, #tpu.memory_space<hbm>>
    tpu.enqueue_indirect_dma source(%dma_start3A_61 : memref<1000000x64xf32, #tpu.memory_space<hbm>>) target(%dma_start3A_55 : memref<128x64xf32, #tpu.memory_space<vmem>>) offsets(%dma_start3A_58 : memref<128xi32, #tpu.memory_space<vmem>>) semaphore(%arg7 : memref<!tpu.dma_semaphore, #tpu.memory_space<semaphore_mem>>)
    %dma_start3A_62 = arith.constant 4 : i32
    %dma_start3A_63 = arith.constant 0 : i32
    %dma_start3A_64 = arith.constant 0 : i32
    %dma_start3A_65 = arith.constant 0 : i32
    %dma_start3A_66 = tpu.memref_slice %arg6[%dma_start3A_63, %dma_start3A_64, %dma_start3A_65] : memref<2x640x64xf32, #tpu.memory_space<vmem>> -> memref<1x640x64xf32, #tpu.memory_space<vmem>>
    %dma_start3A_67 = tpu.memref_squeeze %dma_start3A_66 : memref<1x640x64xf32, #tpu.memory_space<vmem>> -> memref<640x64xf32, #tpu.memory_space<vmem>>
    %dma_start3A_68 = arith.constant 512 : i32
    %dma_start3A_69 = arith.constant 0 : i32
    %dma_start3A_70 = tpu.memref_slice %dma_start3A_67[%dma_start3A_68, %dma_start3A_69] : memref<640x64xf32, #tpu.memory_space<vmem>> -> memref<128x64xf32, #tpu.memory_space<vmem>>
    %dma_start3A_71 = arith.constant 0 : i32
    %dma_start3A_72 = tpu.memref_slice %arg5[%dma_start3A_62, %dma_start3A_71] : memref<200x128xi32, #tpu.memory_space<vmem>> -> memref<1x128xi32, #tpu.memory_space<vmem>>
    %dma_start3A_73 = tpu.memref_squeeze %dma_start3A_72 : memref<1x128xi32, #tpu.memory_space<vmem>> -> memref<128xi32, #tpu.memory_space<vmem>>
    %dma_start3A_74 = arith.constant 0 : i32
    %dma_start3A_75 = arith.constant 0 : i32
    %dma_start3A_76 = tpu.memref_slice %arg3[%dma_start3A_74, %dma_start3A_75] : memref<1000000x64xf32, #tpu.memory_space<hbm>> -> memref<1000000x64xf32, #tpu.memory_space<hbm>>
    tpu.enqueue_indirect_dma source(%dma_start3A_76 : memref<1000000x64xf32, #tpu.memory_space<hbm>>) target(%dma_start3A_70 : memref<128x64xf32, #tpu.memory_space<vmem>>) offsets(%dma_start3A_73 : memref<128xi32, #tpu.memory_space<vmem>>) semaphore(%arg7 : memref<!tpu.dma_semaphore, #tpu.memory_space<semaphore_mem>>)
    %scan3A = arith.constant 0 : i32
    %scan3A_77 = arith.constant 0 : i32
    %scan3A_78 = arith.constant 20 : i32
    %scan3A_79 = arith.addi %scan3A_77, %scan3A_78 : i32
    %scan3A_80 = arith.constant 1 : i32
    scf.for %scan3A_111 = %scan3A_77 to %scan3A_79 step %scan3A_80  : i32 {
      %mul3A_112 = arith.constant 2 : i32
      %mul3A_113 = arith.muli %scan3A_111, %mul3A_112 : i32
      %add3A_114 = arith.constant 0 : i32
      %add3A_115 = arith.addi %mul3A_113, %add3A_114 : i32
      %add3A_116 = arith.constant 1 : i32
      %add3A_117 = arith.addi %add3A_115, %add3A_116 : i32
      %lt3A = arith.constant 40 : i32
      %lt3A_118 = arith.cmpi slt, %add3A_117, %lt3A : i32
      %convert_element_type3A = arith.extui %lt3A_118 : i1 to i32
      %cond3A = arith.constant 0 : i32
      %cond3A_119 = arith.cmpi ne, %convert_element_type3A, %cond3A : i32
      scf.if %cond3A_119 {
        %add3A_201 = arith.constant 1 : i32
        %add3A_202 = arith.addi %add3A_115, %add3A_201 : i32
        %ge3A = arith.constant 2 : i32
        %ge3A_203 = arith.cmpi sge, %add3A_202, %ge3A : i32
        %convert_element_type3A_204 = arith.extui %ge3A_203 : i1 to i32
        %cond3A_205 = arith.constant 0 : i32
        %cond3A_206 = arith.cmpi ne, %convert_element_type3A_204, %cond3A_205 : i32
        scf.if %cond3A_206 {
          %dma_wait3A_299 = arith.constant 1 : i32
          %dma_wait3A_300 = arith.constant 0 : i32
          %dma_wait3A_301 = arith.constant 0 : i32
          %dma_wait3A_302 = tpu.memref_slice %arg6[%dma_wait3A_299, %dma_wait3A_300, %dma_wait3A_301] : memref<2x640x64xf32, #tpu.memory_space<vmem>> -> memref<1x640x64xf32, #tpu.memory_space<vmem>>
          %dma_wait3A_303 = tpu.memref_squeeze %dma_wait3A_302 : memref<1x640x64xf32, #tpu.memory_space<vmem>> -> memref<640x64xf32, #tpu.memory_space<vmem>>
          %dma_wait3A_304 = arith.constant 0 : i32
          %dma_wait3A_305 = arith.constant 0 : i32
          %dma_wait3A_306 = tpu.memref_slice %arg4[%dma_wait3A_304, %dma_wait3A_305] : memref<819200x64xf32, #tpu.memory_space<hbm>> -> memref<640x64xf32, #tpu.memory_space<hbm>>
          %dma_wait3A_307 = arith.constant 0 : i32
          %dma_wait3A_308 = arith.constant 0 : i32
          %dma_wait3A_309 = tpu.memref_slice %arg6[%dma_wait3A_299, %dma_wait3A_307, %dma_wait3A_308] : memref<2x640x64xf32, #tpu.memory_space<vmem>> -> memref<1x640x64xf32, #tpu.memory_space<vmem>>
          %dma_wait3A_310 = tpu.memref_squeeze %dma_wait3A_309 : memref<1x640x64xf32, #tpu.memory_space<vmem>> -> memref<640x64xf32, #tpu.memory_space<vmem>>
          %dma_wait3A_311 = arith.constant 0 : i32
          %dma_wait3A_312 = arith.constant 0 : i32
          %dma_wait3A_313 = tpu.memref_slice %arg4[%dma_wait3A_311, %dma_wait3A_312] : memref<819200x64xf32, #tpu.memory_space<hbm>> -> memref<640x64xf32, #tpu.memory_space<hbm>>
          tpu.wait_dma2 semaphore(%arg10 : memref<!tpu.dma_semaphore, #tpu.memory_space<semaphore_mem>>) src(%dma_wait3A_313 : memref<640x64xf32, #tpu.memory_space<hbm>>) dst(%dma_wait3A_310 : memref<640x64xf32, #tpu.memory_space<vmem>>)
        } else {
        }
        %add3A_207 = arith.constant 1 : i32
        %add3A_208 = arith.addi %add3A_115, %add3A_207 : i32
        %mul3A_209 = arith.constant 5 : i32
        %mul3A_210 = arith.muli %add3A_208, %mul3A_209 : i32
        %add3A_211 = arith.constant 0 : i32
        %add3A_212 = arith.addi %mul3A_210, %add3A_211 : i32
        %dma_start3A_213 = arith.constant 1 : i32
        %dma_start3A_214 = arith.constant 0 : i32
        %dma_start3A_215 = arith.constant 0 : i32
        %dma_start3A_216 = tpu.memref_slice %arg6[%dma_start3A_213, %dma_start3A_214, %dma_start3A_215] : memref<2x640x64xf32, #tpu.memory_space<vmem>> -> memref<1x640x64xf32, #tpu.memory_space<vmem>>
        %dma_start3A_217 = tpu.memref_squeeze %dma_start3A_216 : memref<1x640x64xf32, #tpu.memory_space<vmem>> -> memref<640x64xf32, #tpu.memory_space<vmem>>
        %dma_start3A_218 = arith.constant 0 : i32
        %dma_start3A_219 = arith.constant 0 : i32
        %dma_start3A_220 = tpu.memref_slice %dma_start3A_217[%dma_start3A_218, %dma_start3A_219] : memref<640x64xf32, #tpu.memory_space<vmem>> -> memref<128x64xf32, #tpu.memory_space<vmem>>
        %dma_start3A_221 = arith.constant 0 : i32
        %dma_start3A_222 = tpu.memref_slice %arg5[%add3A_212, %dma_start3A_221] : memref<200x128xi32, #tpu.memory_space<vmem>> -> memref<1x128xi32, #tpu.memory_space<vmem>>
        %dma_start3A_223 = tpu.memref_squeeze %dma_start3A_222 : memref<1x128xi32, #tpu.memory_space<vmem>> -> memref<128xi32, #tpu.memory_space<vmem>>
        %dma_start3A_224 = arith.constant 0 : i32
        %dma_start3A_225 = arith.constant 0 : i32
        %dma_start3A_226 = tpu.memref_slice %arg3[%dma_start3A_224, %dma_start3A_225] : memref<1000000x64xf32, #tpu.memory_space<hbm>> -> memref<1000000x64xf32, #tpu.memory_space<hbm>>
        tpu.enqueue_indirect_dma source(%dma_start3A_226 : memref<1000000x64xf32, #tpu.memory_space<hbm>>) target(%dma_start3A_220 : memref<128x64xf32, #tpu.memory_space<vmem>>) offsets(%dma_start3A_223 : memref<128xi32, #tpu.memory_space<vmem>>) semaphore(%arg8 : memref<!tpu.dma_semaphore, #tpu.memory_space<semaphore_mem>>)
        %mul3A_227 = arith.constant 5 : i32
        %mul3A_228 = arith.muli %add3A_208, %mul3A_227 : i32
        %add3A_229 = arith.constant 1 : i32
        %add3A_230 = arith.addi %mul3A_228, %add3A_229 : i32
        %dma_start3A_231 = arith.constant 1 : i32
        %dma_start3A_232 = arith.constant 0 : i32
        %dma_start3A_233 = arith.constant 0 : i32
        %dma_start3A_234 = tpu.memref_slice %arg6[%dma_start3A_231, %dma_start3A_232, %dma_start3A_233] : memref<2x640x64xf32, #tpu.memory_space<vmem>> -> memref<1x640x64xf32, #tpu.memory_space<vmem>>
        %dma_start3A_235 = tpu.memref_squeeze %dma_start3A_234 : memref<1x640x64xf32, #tpu.memory_space<vmem>> -> memref<640x64xf32, #tpu.memory_space<vmem>>
        %dma_start3A_236 = arith.constant 128 : i32
        %dma_start3A_237 = arith.constant 0 : i32
        %dma_start3A_238 = tpu.memref_slice %dma_start3A_235[%dma_start3A_236, %dma_start3A_237] : memref<640x64xf32, #tpu.memory_space<vmem>> -> memref<128x64xf32, #tpu.memory_space<vmem>>
        %dma_start3A_239 = arith.constant 0 : i32
        %dma_start3A_240 = tpu.memref_slice %arg5[%add3A_230, %dma_start3A_239] : memref<200x128xi32, #tpu.memory_space<vmem>> -> memref<1x128xi32, #tpu.memory_space<vmem>>
        %dma_start3A_241 = tpu.memref_squeeze %dma_start3A_240 : memref<1x128xi32, #tpu.memory_space<vmem>> -> memref<128xi32, #tpu.memory_space<vmem>>
        %dma_start3A_242 = arith.constant 0 : i32
        %dma_start3A_243 = arith.constant 0 : i32
        %dma_start3A_244 = tpu.memref_slice %arg3[%dma_start3A_242, %dma_start3A_243] : memref<1000000x64xf32, #tpu.memory_space<hbm>> -> memref<1000000x64xf32, #tpu.memory_space<hbm>>
        tpu.enqueue_indirect_dma source(%dma_start3A_244 : memref<1000000x64xf32, #tpu.memory_space<hbm>>) target(%dma_start3A_238 : memref<128x64xf32, #tpu.memory_space<vmem>>) offsets(%dma_start3A_241 : memref<128xi32, #tpu.memory_space<vmem>>) semaphore(%arg8 : memref<!tpu.dma_semaphore, #tpu.memory_space<semaphore_mem>>)
        %mul3A_245 = arith.constant 5 : i32
        %mul3A_246 = arith.muli %add3A_208, %mul3A_245 : i32
        %add3A_247 = arith.constant 2 : i32
        %add3A_248 = arith.addi %mul3A_246, %add3A_247 : i32
        %dma_start3A_249 = arith.constant 1 : i32
        %dma_start3A_250 = arith.constant 0 : i32
        %dma_start3A_251 = arith.constant 0 : i32
        %dma_start3A_252 = tpu.memref_slice %arg6[%dma_start3A_249, %dma_start3A_250, %dma_start3A_251] : memref<2x640x64xf32, #tpu.memory_space<vmem>> -> memref<1x640x64xf32, #tpu.memory_space<vmem>>
        %dma_start3A_253 = tpu.memref_squeeze %dma_start3A_252 : memref<1x640x64xf32, #tpu.memory_space<vmem>> -> memref<640x64xf32, #tpu.memory_space<vmem>>
        %dma_start3A_254 = arith.constant 256 : i32
        %dma_start3A_255 = arith.constant 0 : i32
        %dma_start3A_256 = tpu.memref_slice %dma_start3A_253[%dma_start3A_254, %dma_start3A_255] : memref<640x64xf32, #tpu.memory_space<vmem>> -> memref<128x64xf32, #tpu.memory_space<vmem>>
        %dma_start3A_257 = arith.constant 0 : i32
        %dma_start3A_258 = tpu.memref_slice %arg5[%add3A_248, %dma_start3A_257] : memref<200x128xi32, #tpu.memory_space<vmem>> -> memref<1x128xi32, #tpu.memory_space<vmem>>
        %dma_start3A_259 = tpu.memref_squeeze %dma_start3A_258 : memref<1x128xi32, #tpu.memory_space<vmem>> -> memref<128xi32, #tpu.memory_space<vmem>>
        %dma_start3A_260 = arith.constant 0 : i32
        %dma_start3A_261 = arith.constant 0 : i32
        %dma_start3A_262 = tpu.memref_slice %arg3[%dma_start3A_260, %dma_start3A_261] : memref<1000000x64xf32, #tpu.memory_space<hbm>> -> memref<1000000x64xf32, #tpu.memory_space<hbm>>
        tpu.enqueue_indirect_dma source(%dma_start3A_262 : memref<1000000x64xf32, #tpu.memory_space<hbm>>) target(%dma_start3A_256 : memref<128x64xf32, #tpu.memory_space<vmem>>) offsets(%dma_start3A_259 : memref<128xi32, #tpu.memory_space<vmem>>) semaphore(%arg8 : memref<!tpu.dma_semaphore, #tpu.memory_space<semaphore_mem>>)
        %mul3A_263 = arith.constant 5 : i32
        %mul3A_264 = arith.muli %add3A_208, %mul3A_263 : i32
        %add3A_265 = arith.constant 3 : i32
        %add3A_266 = arith.addi %mul3A_264, %add3A_265 : i32
        %dma_start3A_267 = arith.constant 1 : i32
        %dma_start3A_268 = arith.constant 0 : i32
        %dma_start3A_269 = arith.constant 0 : i32
        %dma_start3A_270 = tpu.memref_slice %arg6[%dma_start3A_267, %dma_start3A_268, %dma_start3A_269] : memref<2x640x64xf32, #tpu.memory_space<vmem>> -> memref<1x640x64xf32, #tpu.memory_space<vmem>>
        %dma_start3A_271 = tpu.memref_squeeze %dma_start3A_270 : memref<1x640x64xf32, #tpu.memory_space<vmem>> -> memref<640x64xf32, #tpu.memory_space<vmem>>
        %dma_start3A_272 = arith.constant 384 : i32
        %dma_start3A_273 = arith.constant 0 : i32
        %dma_start3A_274 = tpu.memref_slice %dma_start3A_271[%dma_start3A_272, %dma_start3A_273] : memref<640x64xf32, #tpu.memory_space<vmem>> -> memref<128x64xf32, #tpu.memory_space<vmem>>
        %dma_start3A_275 = arith.constant 0 : i32
        %dma_start3A_276 = tpu.memref_slice %arg5[%add3A_266, %dma_start3A_275] : memref<200x128xi32, #tpu.memory_space<vmem>> -> memref<1x128xi32, #tpu.memory_space<vmem>>
        %dma_start3A_277 = tpu.memref_squeeze %dma_start3A_276 : memref<1x128xi32, #tpu.memory_space<vmem>> -> memref<128xi32, #tpu.memory_space<vmem>>
        %dma_start3A_278 = arith.constant 0 : i32
        %dma_start3A_279 = arith.constant 0 : i32
        %dma_start3A_280 = tpu.memref_slice %arg3[%dma_start3A_278, %dma_start3A_279] : memref<1000000x64xf32, #tpu.memory_space<hbm>> -> memref<1000000x64xf32, #tpu.memory_space<hbm>>
        tpu.enqueue_indirect_dma source(%dma_start3A_280 : memref<1000000x64xf32, #tpu.memory_space<hbm>>) target(%dma_start3A_274 : memref<128x64xf32, #tpu.memory_space<vmem>>) offsets(%dma_start3A_277 : memref<128xi32, #tpu.memory_space<vmem>>) semaphore(%arg8 : memref<!tpu.dma_semaphore, #tpu.memory_space<semaphore_mem>>)
        %mul3A_281 = arith.constant 5 : i32
        %mul3A_282 = arith.muli %add3A_208, %mul3A_281 : i32
        %add3A_283 = arith.constant 4 : i32
        %add3A_284 = arith.addi %mul3A_282, %add3A_283 : i32
        %dma_start3A_285 = arith.constant 1 : i32
        %dma_start3A_286 = arith.constant 0 : i32
        %dma_start3A_287 = arith.constant 0 : i32
        %dma_start3A_288 = tpu.memref_slice %arg6[%dma_start3A_285, %dma_start3A_286, %dma_start3A_287] : memref<2x640x64xf32, #tpu.memory_space<vmem>> -> memref<1x640x64xf32, #tpu.memory_space<vmem>>
        %dma_start3A_289 = tpu.memref_squeeze %dma_start3A_288 : memref<1x640x64xf32, #tpu.memory_space<vmem>> -> memref<640x64xf32, #tpu.memory_space<vmem>>
        %dma_start3A_290 = arith.constant 512 : i32
        %dma_start3A_291 = arith.constant 0 : i32
        %dma_start3A_292 = tpu.memref_slice %dma_start3A_289[%dma_start3A_290, %dma_start3A_291] : memref<640x64xf32, #tpu.memory_space<vmem>> -> memref<128x64xf32, #tpu.memory_space<vmem>>
        %dma_start3A_293 = arith.constant 0 : i32
        %dma_start3A_294 = tpu.memref_slice %arg5[%add3A_284, %dma_start3A_293] : memref<200x128xi32, #tpu.memory_space<vmem>> -> memref<1x128xi32, #tpu.memory_space<vmem>>
        %dma_start3A_295 = tpu.memref_squeeze %dma_start3A_294 : memref<1x128xi32, #tpu.memory_space<vmem>> -> memref<128xi32, #tpu.memory_space<vmem>>
        %dma_start3A_296 = arith.constant 0 : i32
        %dma_start3A_297 = arith.constant 0 : i32
        %dma_start3A_298 = tpu.memref_slice %arg3[%dma_start3A_296, %dma_start3A_297] : memref<1000000x64xf32, #tpu.memory_space<hbm>> -> memref<1000000x64xf32, #tpu.memory_space<hbm>>
        tpu.enqueue_indirect_dma source(%dma_start3A_298 : memref<1000000x64xf32, #tpu.memory_space<hbm>>) target(%dma_start3A_292 : memref<128x64xf32, #tpu.memory_space<vmem>>) offsets(%dma_start3A_295 : memref<128xi32, #tpu.memory_space<vmem>>) semaphore(%arg8 : memref<!tpu.dma_semaphore, #tpu.memory_space<semaphore_mem>>)
      } else {
      }
      %dma_wait3A_120 = arith.constant 0 : i32
      %dma_wait3A_121 = arith.constant 0 : i32
      %dma_wait3A_122 = arith.constant 0 : i32
      %dma_wait3A_123 = tpu.memref_slice %arg6[%dma_wait3A_120, %dma_wait3A_121, %dma_wait3A_122] : memref<2x640x64xf32, #tpu.memory_space<vmem>> -> memref<1x640x64xf32, #tpu.memory_space<vmem>>
      %dma_wait3A_124 = tpu.memref_squeeze %dma_wait3A_123 : memref<1x640x64xf32, #tpu.memory_space<vmem>> -> memref<640x64xf32, #tpu.memory_space<vmem>>
      %dma_wait3A_125 = arith.constant 0 : i32
      %dma_wait3A_126 = arith.constant 0 : i32
      %dma_wait3A_127 = tpu.memref_slice %arg4[%dma_wait3A_125, %dma_wait3A_126] : memref<819200x64xf32, #tpu.memory_space<hbm>> -> memref<640x64xf32, #tpu.memory_space<hbm>>
      %dma_wait3A_128 = arith.constant 0 : i32
      %dma_wait3A_129 = arith.constant 0 : i32
      %dma_wait3A_130 = tpu.memref_slice %arg6[%dma_wait3A_120, %dma_wait3A_128, %dma_wait3A_129] : memref<2x640x64xf32, #tpu.memory_space<vmem>> -> memref<1x640x64xf32, #tpu.memory_space<vmem>>
      %dma_wait3A_131 = tpu.memref_squeeze %dma_wait3A_130 : memref<1x640x64xf32, #tpu.memory_space<vmem>> -> memref<640x64xf32, #tpu.memory_space<vmem>>
      %dma_wait3A_132 = arith.constant 0 : i32
      %dma_wait3A_133 = arith.constant 0 : i32
      %dma_wait3A_134 = tpu.memref_slice %arg4[%dma_wait3A_132, %dma_wait3A_133] : memref<819200x64xf32, #tpu.memory_space<hbm>> -> memref<640x64xf32, #tpu.memory_space<hbm>>
      tpu.wait_dma2 semaphore(%arg7 : memref<!tpu.dma_semaphore, #tpu.memory_space<semaphore_mem>>) src(%dma_wait3A_134 : memref<640x64xf32, #tpu.memory_space<hbm>>) dst(%dma_wait3A_131 : memref<640x64xf32, #tpu.memory_space<vmem>>)
      %mul3A_135 = arith.constant 200 : i32
      %mul3A_136 = arith.muli %add3A, %mul3A_135 : i32
      %mul3A_137 = arith.constant 5 : i32
      %mul3A_138 = arith.muli %add3A_115, %mul3A_137 : i32
      %add3A_139 = arith.addi %mul3A_136, %mul3A_138 : i32
      %mul3A_140 = arith.constant 128 : i32
      %mul3A_141 = arith.muli %add3A_139, %mul3A_140 : i32
      %dma_start3A_142 = arith.constant 0 : i32
      %dma_start3A_143 = arith.constant 0 : i32
      %dma_start3A_144 = arith.constant 0 : i32
      %dma_start3A_145 = tpu.memref_slice %arg6[%dma_start3A_142, %dma_start3A_143, %dma_start3A_144] : memref<2x640x64xf32, #tpu.memory_space<vmem>> -> memref<1x640x64xf32, #tpu.memory_space<vmem>>
      %dma_start3A_146 = tpu.memref_squeeze %dma_start3A_145 : memref<1x640x64xf32, #tpu.memory_space<vmem>> -> memref<640x64xf32, #tpu.memory_space<vmem>>
      %dma_start3A_147 = arith.constant 0 : i32
      %dma_start3A_148 = tpu.memref_slice %arg4[%mul3A_141, %dma_start3A_147] : memref<819200x64xf32, #tpu.memory_space<hbm>> -> memref<640x64xf32, #tpu.memory_space<hbm>>
      %dma_start3A_149 = arith.constant 0 : i32
      %dma_start3A_150 = tpu.memref_slice %arg4[%mul3A_141, %dma_start3A_149] : memref<819200x64xf32, #tpu.memory_space<hbm>> -> memref<640x64xf32, #tpu.memory_space<hbm>>
      %dma_start3A_151 = arith.constant 0 : i32
      %dma_start3A_152 = arith.constant 0 : i32
      %dma_start3A_153 = tpu.memref_slice %arg6[%dma_start3A_142, %dma_start3A_151, %dma_start3A_152] : memref<2x640x64xf32, #tpu.memory_space<vmem>> -> memref<1x640x64xf32, #tpu.memory_space<vmem>>
      %dma_start3A_154 = tpu.memref_squeeze %dma_start3A_153 : memref<1x640x64xf32, #tpu.memory_space<vmem>> -> memref<640x64xf32, #tpu.memory_space<vmem>>
      tpu.enqueue_dma source(%dma_start3A_154 : memref<640x64xf32, #tpu.memory_space<vmem>>) target(%dma_start3A_150 : memref<640x64xf32, #tpu.memory_space<hbm>>) target_semaphore(%arg9 : memref<!tpu.dma_semaphore, #tpu.memory_space<semaphore_mem>>)
      %mul3A_155 = arith.constant 2 : i32
      %mul3A_156 = arith.muli %scan3A_111, %mul3A_155 : i32
      %add3A_157 = arith.constant 1 : i32
      %add3A_158 = arith.addi %mul3A_156, %add3A_157 : i32
      %add3A_159 = arith.constant 1 : i32
      %add3A_160 = arith.addi %add3A_158, %add3A_159 : i32
      %lt3A_161 = arith.constant 40 : i32
      %lt3A_162 = arith.cmpi slt, %add3A_160, %lt3A_161 : i32
      %convert_element_type3A_163 = arith.extui %lt3A_162 : i1 to i32
      %cond3A_164 = arith.constant 0 : i32
      %cond3A_165 = arith.cmpi ne, %convert_element_type3A_163, %cond3A_164 : i32
      scf.if %cond3A_165 {
        %add3A_201 = arith.constant 1 : i32
        %add3A_202 = arith.addi %add3A_158, %add3A_201 : i32
        %ge3A = arith.constant 2 : i32
        %ge3A_203 = arith.cmpi sge, %add3A_202, %ge3A : i32
        %convert_element_type3A_204 = arith.extui %ge3A_203 : i1 to i32
        %cond3A_205 = arith.constant 0 : i32
        %cond3A_206 = arith.cmpi ne, %convert_element_type3A_204, %cond3A_205 : i32
        scf.if %cond3A_206 {
          %dma_wait3A_299 = arith.constant 0 : i32
          %dma_wait3A_300 = arith.constant 0 : i32
          %dma_wait3A_301 = arith.constant 0 : i32
          %dma_wait3A_302 = tpu.memref_slice %arg6[%dma_wait3A_299, %dma_wait3A_300, %dma_wait3A_301] : memref<2x640x64xf32, #tpu.memory_space<vmem>> -> memref<1x640x64xf32, #tpu.memory_space<vmem>>
          %dma_wait3A_303 = tpu.memref_squeeze %dma_wait3A_302 : memref<1x640x64xf32, #tpu.memory_space<vmem>> -> memref<640x64xf32, #tpu.memory_space<vmem>>
          %dma_wait3A_304 = arith.constant 0 : i32
          %dma_wait3A_305 = arith.constant 0 : i32
          %dma_wait3A_306 = tpu.memref_slice %arg4[%dma_wait3A_304, %dma_wait3A_305] : memref<819200x64xf32, #tpu.memory_space<hbm>> -> memref<640x64xf32, #tpu.memory_space<hbm>>
          %dma_wait3A_307 = arith.constant 0 : i32
          %dma_wait3A_308 = arith.constant 0 : i32
          %dma_wait3A_309 = tpu.memref_slice %arg6[%dma_wait3A_299, %dma_wait3A_307, %dma_wait3A_308] : memref<2x640x64xf32, #tpu.memory_space<vmem>> -> memref<1x640x64xf32, #tpu.memory_space<vmem>>
          %dma_wait3A_310 = tpu.memref_squeeze %dma_wait3A_309 : memref<1x640x64xf32, #tpu.memory_space<vmem>> -> memref<640x64xf32, #tpu.memory_space<vmem>>
          %dma_wait3A_311 = arith.constant 0 : i32
          %dma_wait3A_312 = arith.constant 0 : i32
          %dma_wait3A_313 = tpu.memref_slice %arg4[%dma_wait3A_311, %dma_wait3A_312] : memref<819200x64xf32, #tpu.memory_space<hbm>> -> memref<640x64xf32, #tpu.memory_space<hbm>>
          tpu.wait_dma2 semaphore(%arg9 : memref<!tpu.dma_semaphore, #tpu.memory_space<semaphore_mem>>) src(%dma_wait3A_313 : memref<640x64xf32, #tpu.memory_space<hbm>>) dst(%dma_wait3A_310 : memref<640x64xf32, #tpu.memory_space<vmem>>)
        } else {
        }
        %add3A_207 = arith.constant 1 : i32
        %add3A_208 = arith.addi %add3A_158, %add3A_207 : i32
        %mul3A_209 = arith.constant 5 : i32
        %mul3A_210 = arith.muli %add3A_208, %mul3A_209 : i32
        %add3A_211 = arith.constant 0 : i32
        %add3A_212 = arith.addi %mul3A_210, %add3A_211 : i32
        %dma_start3A_213 = arith.constant 0 : i32
        %dma_start3A_214 = arith.constant 0 : i32
        %dma_start3A_215 = arith.constant 0 : i32
        %dma_start3A_216 = tpu.memref_slice %arg6[%dma_start3A_213, %dma_start3A_214, %dma_start3A_215] : memref<2x640x64xf32, #tpu.memory_space<vmem>> -> memref<1x640x64xf32, #tpu.memory_space<vmem>>
        %dma_start3A_217 = tpu.memref_squeeze %dma_start3A_216 : memref<1x640x64xf32, #tpu.memory_space<vmem>> -> memref<640x64xf32, #tpu.memory_space<vmem>>
        %dma_start3A_218 = arith.constant 0 : i32
        %dma_start3A_219 = arith.constant 0 : i32
        %dma_start3A_220 = tpu.memref_slice %dma_start3A_217[%dma_start3A_218, %dma_start3A_219] : memref<640x64xf32, #tpu.memory_space<vmem>> -> memref<128x64xf32, #tpu.memory_space<vmem>>
        %dma_start3A_221 = arith.constant 0 : i32
        %dma_start3A_222 = tpu.memref_slice %arg5[%add3A_212, %dma_start3A_221] : memref<200x128xi32, #tpu.memory_space<vmem>> -> memref<1x128xi32, #tpu.memory_space<vmem>>
        %dma_start3A_223 = tpu.memref_squeeze %dma_start3A_222 : memref<1x128xi32, #tpu.memory_space<vmem>> -> memref<128xi32, #tpu.memory_space<vmem>>
        %dma_start3A_224 = arith.constant 0 : i32
        %dma_start3A_225 = arith.constant 0 : i32
        %dma_start3A_226 = tpu.memref_slice %arg3[%dma_start3A_224, %dma_start3A_225] : memref<1000000x64xf32, #tpu.memory_space<hbm>> -> memref<1000000x64xf32, #tpu.memory_space<hbm>>
        tpu.enqueue_indirect_dma source(%dma_start3A_226 : memref<1000000x64xf32, #tpu.memory_space<hbm>>) target(%dma_start3A_220 : memref<128x64xf32, #tpu.memory_space<vmem>>) offsets(%dma_start3A_223 : memref<128xi32, #tpu.memory_space<vmem>>) semaphore(%arg7 : memref<!tpu.dma_semaphore, #tpu.memory_space<semaphore_mem>>)
        %mul3A_227 = arith.constant 5 : i32
        %mul3A_228 = arith.muli %add3A_208, %mul3A_227 : i32
        %add3A_229 = arith.constant 1 : i32
        %add3A_230 = arith.addi %mul3A_228, %add3A_229 : i32
        %dma_start3A_231 = arith.constant 0 : i32
        %dma_start3A_232 = arith.constant 0 : i32
        %dma_start3A_233 = arith.constant 0 : i32
        %dma_start3A_234 = tpu.memref_slice %arg6[%dma_start3A_231, %dma_start3A_232, %dma_start3A_233] : memref<2x640x64xf32, #tpu.memory_space<vmem>> -> memref<1x640x64xf32, #tpu.memory_space<vmem>>
        %dma_start3A_235 = tpu.memref_squeeze %dma_start3A_234 : memref<1x640x64xf32, #tpu.memory_space<vmem>> -> memref<640x64xf32, #tpu.memory_space<vmem>>
        %dma_start3A_236 = arith.constant 128 : i32
        %dma_start3A_237 = arith.constant 0 : i32
        %dma_start3A_238 = tpu.memref_slice %dma_start3A_235[%dma_start3A_236, %dma_start3A_237] : memref<640x64xf32, #tpu.memory_space<vmem>> -> memref<128x64xf32, #tpu.memory_space<vmem>>
        %dma_start3A_239 = arith.constant 0 : i32
        %dma_start3A_240 = tpu.memref_slice %arg5[%add3A_230, %dma_start3A_239] : memref<200x128xi32, #tpu.memory_space<vmem>> -> memref<1x128xi32, #tpu.memory_space<vmem>>
        %dma_start3A_241 = tpu.memref_squeeze %dma_start3A_240 : memref<1x128xi32, #tpu.memory_space<vmem>> -> memref<128xi32, #tpu.memory_space<vmem>>
        %dma_start3A_242 = arith.constant 0 : i32
        %dma_start3A_243 = arith.constant 0 : i32
        %dma_start3A_244 = tpu.memref_slice %arg3[%dma_start3A_242, %dma_start3A_243] : memref<1000000x64xf32, #tpu.memory_space<hbm>> -> memref<1000000x64xf32, #tpu.memory_space<hbm>>
        tpu.enqueue_indirect_dma source(%dma_start3A_244 : memref<1000000x64xf32, #tpu.memory_space<hbm>>) target(%dma_start3A_238 : memref<128x64xf32, #tpu.memory_space<vmem>>) offsets(%dma_start3A_241 : memref<128xi32, #tpu.memory_space<vmem>>) semaphore(%arg7 : memref<!tpu.dma_semaphore, #tpu.memory_space<semaphore_mem>>)
        %mul3A_245 = arith.constant 5 : i32
        %mul3A_246 = arith.muli %add3A_208, %mul3A_245 : i32
        %add3A_247 = arith.constant 2 : i32
        %add3A_248 = arith.addi %mul3A_246, %add3A_247 : i32
        %dma_start3A_249 = arith.constant 0 : i32
        %dma_start3A_250 = arith.constant 0 : i32
        %dma_start3A_251 = arith.constant 0 : i32
        %dma_start3A_252 = tpu.memref_slice %arg6[%dma_start3A_249, %dma_start3A_250, %dma_start3A_251] : memref<2x640x64xf32, #tpu.memory_space<vmem>> -> memref<1x640x64xf32, #tpu.memory_space<vmem>>
        %dma_start3A_253 = tpu.memref_squeeze %dma_start3A_252 : memref<1x640x64xf32, #tpu.memory_space<vmem>> -> memref<640x64xf32, #tpu.memory_space<vmem>>
        %dma_start3A_254 = arith.constant 256 : i32
        %dma_start3A_255 = arith.constant 0 : i32
        %dma_start3A_256 = tpu.memref_slice %dma_start3A_253[%dma_start3A_254, %dma_start3A_255] : memref<640x64xf32, #tpu.memory_space<vmem>> -> memref<128x64xf32, #tpu.memory_space<vmem>>
        %dma_start3A_257 = arith.constant 0 : i32
        %dma_start3A_258 = tpu.memref_slice %arg5[%add3A_248, %dma_start3A_257] : memref<200x128xi32, #tpu.memory_space<vmem>> -> memref<1x128xi32, #tpu.memory_space<vmem>>
        %dma_start3A_259 = tpu.memref_squeeze %dma_start3A_258 : memref<1x128xi32, #tpu.memory_space<vmem>> -> memref<128xi32, #tpu.memory_space<vmem>>
        %dma_start3A_260 = arith.constant 0 : i32
        %dma_start3A_261 = arith.constant 0 : i32
        %dma_start3A_262 = tpu.memref_slice %arg3[%dma_start3A_260, %dma_start3A_261] : memref<1000000x64xf32, #tpu.memory_space<hbm>> -> memref<1000000x64xf32, #tpu.memory_space<hbm>>
        tpu.enqueue_indirect_dma source(%dma_start3A_262 : memref<1000000x64xf32, #tpu.memory_space<hbm>>) target(%dma_start3A_256 : memref<128x64xf32, #tpu.memory_space<vmem>>) offsets(%dma_start3A_259 : memref<128xi32, #tpu.memory_space<vmem>>) semaphore(%arg7 : memref<!tpu.dma_semaphore, #tpu.memory_space<semaphore_mem>>)
        %mul3A_263 = arith.constant 5 : i32
        %mul3A_264 = arith.muli %add3A_208, %mul3A_263 : i32
        %add3A_265 = arith.constant 3 : i32
        %add3A_266 = arith.addi %mul3A_264, %add3A_265 : i32
        %dma_start3A_267 = arith.constant 0 : i32
        %dma_start3A_268 = arith.constant 0 : i32
        %dma_start3A_269 = arith.constant 0 : i32
        %dma_start3A_270 = tpu.memref_slice %arg6[%dma_start3A_267, %dma_start3A_268, %dma_start3A_269] : memref<2x640x64xf32, #tpu.memory_space<vmem>> -> memref<1x640x64xf32, #tpu.memory_space<vmem>>
        %dma_start3A_271 = tpu.memref_squeeze %dma_start3A_270 : memref<1x640x64xf32, #tpu.memory_space<vmem>> -> memref<640x64xf32, #tpu.memory_space<vmem>>
        %dma_start3A_272 = arith.constant 384 : i32
        %dma_start3A_273 = arith.constant 0 : i32
        %dma_start3A_274 = tpu.memref_slice %dma_start3A_271[%dma_start3A_272, %dma_start3A_273] : memref<640x64xf32, #tpu.memory_space<vmem>> -> memref<128x64xf32, #tpu.memory_space<vmem>>
        %dma_start3A_275 = arith.constant 0 : i32
        %dma_start3A_276 = tpu.memref_slice %arg5[%add3A_266, %dma_start3A_275] : memref<200x128xi32, #tpu.memory_space<vmem>> -> memref<1x128xi32, #tpu.memory_space<vmem>>
        %dma_start3A_277 = tpu.memref_squeeze %dma_start3A_276 : memref<1x128xi32, #tpu.memory_space<vmem>> -> memref<128xi32, #tpu.memory_space<vmem>>
        %dma_start3A_278 = arith.constant 0 : i32
        %dma_start3A_279 = arith.constant 0 : i32
        %dma_start3A_280 = tpu.memref_slice %arg3[%dma_start3A_278, %dma_start3A_279] : memref<1000000x64xf32, #tpu.memory_space<hbm>> -> memref<1000000x64xf32, #tpu.memory_space<hbm>>
        tpu.enqueue_indirect_dma source(%dma_start3A_280 : memref<1000000x64xf32, #tpu.memory_space<hbm>>) target(%dma_start3A_274 : memref<128x64xf32, #tpu.memory_space<vmem>>) offsets(%dma_start3A_277 : memref<128xi32, #tpu.memory_space<vmem>>) semaphore(%arg7 : memref<!tpu.dma_semaphore, #tpu.memory_space<semaphore_mem>>)
        %mul3A_281 = arith.constant 5 : i32
        %mul3A_282 = arith.muli %add3A_208, %mul3A_281 : i32
        %add3A_283 = arith.constant 4 : i32
        %add3A_284 = arith.addi %mul3A_282, %add3A_283 : i32
        %dma_start3A_285 = arith.constant 0 : i32
        %dma_start3A_286 = arith.constant 0 : i32
        %dma_start3A_287 = arith.constant 0 : i32
        %dma_start3A_288 = tpu.memref_slice %arg6[%dma_start3A_285, %dma_start3A_286, %dma_start3A_287] : memref<2x640x64xf32, #tpu.memory_space<vmem>> -> memref<1x640x64xf32, #tpu.memory_space<vmem>>
        %dma_start3A_289 = tpu.memref_squeeze %dma_start3A_288 : memref<1x640x64xf32, #tpu.memory_space<vmem>> -> memref<640x64xf32, #tpu.memory_space<vmem>>
        %dma_start3A_290 = arith.constant 512 : i32
        %dma_start3A_291 = arith.constant 0 : i32
        %dma_start3A_292 = tpu.memref_slice %dma_start3A_289[%dma_start3A_290, %dma_start3A_291] : memref<640x64xf32, #tpu.memory_space<vmem>> -> memref<128x64xf32, #tpu.memory_space<vmem>>
        %dma_start3A_293 = arith.constant 0 : i32
        %dma_start3A_294 = tpu.memref_slice %arg5[%add3A_284, %dma_start3A_293] : memref<200x128xi32, #tpu.memory_space<vmem>> -> memref<1x128xi32, #tpu.memory_space<vmem>>
        %dma_start3A_295 = tpu.memref_squeeze %dma_start3A_294 : memref<1x128xi32, #tpu.memory_space<vmem>> -> memref<128xi32, #tpu.memory_space<vmem>>
        %dma_start3A_296 = arith.constant 0 : i32
        %dma_start3A_297 = arith.constant 0 : i32
        %dma_start3A_298 = tpu.memref_slice %arg3[%dma_start3A_296, %dma_start3A_297] : memref<1000000x64xf32, #tpu.memory_space<hbm>> -> memref<1000000x64xf32, #tpu.memory_space<hbm>>
        tpu.enqueue_indirect_dma source(%dma_start3A_298 : memref<1000000x64xf32, #tpu.memory_space<hbm>>) target(%dma_start3A_292 : memref<128x64xf32, #tpu.memory_space<vmem>>) offsets(%dma_start3A_295 : memref<128xi32, #tpu.memory_space<vmem>>) semaphore(%arg7 : memref<!tpu.dma_semaphore, #tpu.memory_space<semaphore_mem>>)
      } else {
      }
      %dma_wait3A_166 = arith.constant 1 : i32
      %dma_wait3A_167 = arith.constant 0 : i32
      %dma_wait3A_168 = arith.constant 0 : i32
      %dma_wait3A_169 = tpu.memref_slice %arg6[%dma_wait3A_166, %dma_wait3A_167, %dma_wait3A_168] : memref<2x640x64xf32, #tpu.memory_space<vmem>> -> memref<1x640x64xf32, #tpu.memory_space<vmem>>
      %dma_wait3A_170 = tpu.memref_squeeze %dma_wait3A_169 : memref<1x640x64xf32, #tpu.memory_space<vmem>> -> memref<640x64xf32, #tpu.memory_space<vmem>>
      %dma_wait3A_171 = arith.constant 0 : i32
      %dma_wait3A_172 = arith.constant 0 : i32
      %dma_wait3A_173 = tpu.memref_slice %arg4[%dma_wait3A_171, %dma_wait3A_172] : memref<819200x64xf32, #tpu.memory_space<hbm>> -> memref<640x64xf32, #tpu.memory_space<hbm>>
      %dma_wait3A_174 = arith.constant 0 : i32
      %dma_wait3A_175 = arith.constant 0 : i32
      %dma_wait3A_176 = tpu.memref_slice %arg6[%dma_wait3A_166, %dma_wait3A_174, %dma_wait3A_175] : memref<2x640x64xf32, #tpu.memory_space<vmem>> -> memref<1x640x64xf32, #tpu.memory_space<vmem>>
      %dma_wait3A_177 = tpu.memref_squeeze %dma_wait3A_176 : memref<1x640x64xf32, #tpu.memory_space<vmem>> -> memref<640x64xf32, #tpu.memory_space<vmem>>
      %dma_wait3A_178 = arith.constant 0 : i32
      %dma_wait3A_179 = arith.constant 0 : i32
      %dma_wait3A_180 = tpu.memref_slice %arg4[%dma_wait3A_178, %dma_wait3A_179] : memref<819200x64xf32, #tpu.memory_space<hbm>> -> memref<640x64xf32, #tpu.memory_space<hbm>>
      tpu.wait_dma2 semaphore(%arg8 : memref<!tpu.dma_semaphore, #tpu.memory_space<semaphore_mem>>) src(%dma_wait3A_180 : memref<640x64xf32, #tpu.memory_space<hbm>>) dst(%dma_wait3A_177 : memref<640x64xf32, #tpu.memory_space<vmem>>)
      %mul3A_181 = arith.constant 200 : i32
      %mul3A_182 = arith.muli %add3A, %mul3A_181 : i32
      %mul3A_183 = arith.constant 5 : i32
      %mul3A_184 = arith.muli %add3A_158, %mul3A_183 : i32
      %add3A_185 = arith.addi %mul3A_182, %mul3A_184 : i32
      %mul3A_186 = arith.constant 128 : i32
      %mul3A_187 = arith.muli %add3A_185, %mul3A_186 : i32
      %dma_start3A_188 = arith.constant 1 : i32
      %dma_start3A_189 = arith.constant 0 : i32
      %dma_start3A_190 = arith.constant 0 : i32
      %dma_start3A_191 = tpu.memref_slice %arg6[%dma_start3A_188, %dma_start3A_189, %dma_start3A_190] : memref<2x640x64xf32, #tpu.memory_space<vmem>> -> memref<1x640x64xf32, #tpu.memory_space<vmem>>
      %dma_start3A_192 = tpu.memref_squeeze %dma_start3A_191 : memref<1x640x64xf32, #tpu.memory_space<vmem>> -> memref<640x64xf32, #tpu.memory_space<vmem>>
      %dma_start3A_193 = arith.constant 0 : i32
      %dma_start3A_194 = tpu.memref_slice %arg4[%mul3A_187, %dma_start3A_193] : memref<819200x64xf32, #tpu.memory_space<hbm>> -> memref<640x64xf32, #tpu.memory_space<hbm>>
      %dma_start3A_195 = arith.constant 0 : i32
      %dma_start3A_196 = tpu.memref_slice %arg4[%mul3A_187, %dma_start3A_195] : memref<819200x64xf32, #tpu.memory_space<hbm>> -> memref<640x64xf32, #tpu.memory_space<hbm>>
      %dma_start3A_197 = arith.constant 0 : i32
      %dma_start3A_198 = arith.constant 0 : i32
      %dma_start3A_199 = tpu.memref_slice %arg6[%dma_start3A_188, %dma_start3A_197, %dma_start3A_198] : memref<2x640x64xf32, #tpu.memory_space<vmem>> -> memref<1x640x64xf32, #tpu.memory_space<vmem>>
      %dma_start3A_200 = tpu.memref_squeeze %dma_start3A_199 : memref<1x640x64xf32, #tpu.memory_space<vmem>> -> memref<640x64xf32, #tpu.memory_space<vmem>>
      tpu.enqueue_dma source(%dma_start3A_200 : memref<640x64xf32, #tpu.memory_space<vmem>>) target(%dma_start3A_196 : memref<640x64xf32, #tpu.memory_space<hbm>>) target_semaphore(%arg10 : memref<!tpu.dma_semaphore, #tpu.memory_space<semaphore_mem>>)
    }
    %scan3A_81 = arith.constant 20 : i32
    %dma_wait3A = arith.constant 0 : i32
    %dma_wait3A_82 = arith.constant 0 : i32
    %dma_wait3A_83 = arith.constant 0 : i32
    %dma_wait3A_84 = tpu.memref_slice %arg6[%dma_wait3A, %dma_wait3A_82, %dma_wait3A_83] : memref<2x640x64xf32, #tpu.memory_space<vmem>> -> memref<1x640x64xf32, #tpu.memory_space<vmem>>
    %dma_wait3A_85 = tpu.memref_squeeze %dma_wait3A_84 : memref<1x640x64xf32, #tpu.memory_space<vmem>> -> memref<640x64xf32, #tpu.memory_space<vmem>>
    %dma_wait3A_86 = arith.constant 0 : i32
    %dma_wait3A_87 = arith.constant 0 : i32
    %dma_wait3A_88 = tpu.memref_slice %arg4[%dma_wait3A_86, %dma_wait3A_87] : memref<819200x64xf32, #tpu.memory_space<hbm>> -> memref<640x64xf32, #tpu.memory_space<hbm>>
    %dma_wait3A_89 = arith.constant 0 : i32
    %dma_wait3A_90 = arith.constant 0 : i32
    %dma_wait3A_91 = tpu.memref_slice %arg6[%dma_wait3A, %dma_wait3A_89, %dma_wait3A_90] : memref<2x640x64xf32, #tpu.memory_space<vmem>> -> memref<1x640x64xf32, #tpu.memory_space<vmem>>
    %dma_wait3A_92 = tpu.memref_squeeze %dma_wait3A_91 : memref<1x640x64xf32, #tpu.memory_space<vmem>> -> memref<640x64xf32, #tpu.memory_space<vmem>>
    %dma_wait3A_93 = arith.constant 0 : i32
    %dma_wait3A_94 = arith.constant 0 : i32
    %dma_wait3A_95 = tpu.memref_slice %arg4[%dma_wait3A_93, %dma_wait3A_94] : memref<819200x64xf32, #tpu.memory_space<hbm>> -> memref<640x64xf32, #tpu.memory_space<hbm>>
    tpu.wait_dma2 semaphore(%arg9 : memref<!tpu.dma_semaphore, #tpu.memory_space<semaphore_mem>>) src(%dma_wait3A_95 : memref<640x64xf32, #tpu.memory_space<hbm>>) dst(%dma_wait3A_92 : memref<640x64xf32, #tpu.memory_space<vmem>>)
    %dma_wait3A_96 = arith.constant 1 : i32
    %dma_wait3A_97 = arith.constant 0 : i32
    %dma_wait3A_98 = arith.constant 0 : i32
    %dma_wait3A_99 = tpu.memref_slice %arg6[%dma_wait3A_96, %dma_wait3A_97, %dma_wait3A_98] : memref<2x640x64xf32, #tpu.memory_space<vmem>> -> memref<1x640x64xf32, #tpu.memory_space<vmem>>
    %dma_wait3A_100 = tpu.memref_squeeze %dma_wait3A_99 : memref<1x640x64xf32, #tpu.memory_space<vmem>> -> memref<640x64xf32, #tpu.memory_space<vmem>>
    %dma_wait3A_101 = arith.constant 0 : i32
    %dma_wait3A_102 = arith.constant 0 : i32
    %dma_wait3A_103 = tpu.memref_slice %arg4[%dma_wait3A_101, %dma_wait3A_102] : memref<819200x64xf32, #tpu.memory_space<hbm>> -> memref<640x64xf32, #tpu.memory_space<hbm>>
    %dma_wait3A_104 = arith.constant 0 : i32
    %dma_wait3A_105 = arith.constant 0 : i32
    %dma_wait3A_106 = tpu.memref_slice %arg6[%dma_wait3A_96, %dma_wait3A_104, %dma_wait3A_105] : memref<2x640x64xf32, #tpu.memory_space<vmem>> -> memref<1x640x64xf32, #tpu.memory_space<vmem>>
    %dma_wait3A_107 = tpu.memref_squeeze %dma_wait3A_106 : memref<1x640x64xf32, #tpu.memory_space<vmem>> -> memref<640x64xf32, #tpu.memory_space<vmem>>
    %dma_wait3A_108 = arith.constant 0 : i32
    %dma_wait3A_109 = arith.constant 0 : i32
    %dma_wait3A_110 = tpu.memref_slice %arg4[%dma_wait3A_108, %dma_wait3A_109] : memref<819200x64xf32, #tpu.memory_space<hbm>> -> memref<640x64xf32, #tpu.memory_space<hbm>>
    tpu.wait_dma2 semaphore(%arg10 : memref<!tpu.dma_semaphore, #tpu.memory_space<semaphore_mem>>) src(%dma_wait3A_110 : memref<640x64xf32, #tpu.memory_space<hbm>>) dst(%dma_wait3A_107 : memref<640x64xf32, #tpu.memory_space<vmem>>)
    return
  }
}

</mosaic_0001>

<sc_bundles>
// kernel: kernel.3.cloned.1.call-start
scs
__scs_entry_jumppad:
0x0: {  	(pc) =	sbr.rel $0x88, $3  }
0x1: {  	(tag) =	ssettag $0x0;
	lr =	simm.s32 $0x1  }
0x2: {  	[smem:$0x3F9F] =	sst lr;
	_ =	strace $0xD0000000  }
0x3: {  	_ = 	snop  }
0x4: {  	_ = 	snop  }
0x5: {  	_ = 	snop  }
0x6: {  	_ = 	snop  }
0x7: {  	_ = 	snop  }
__scs_overlays_trampoline_lowered:
0x8: {  	[smem:$0x3FAE] =	sst s0  }
0x9: {  	[smem:$0x3FAF] =	sst s1  }
0xa: {  	[smem:$0x3FB0] =	sst s2  }
0xb: {  	[smem:$0x3FB1] =	sst s3  }
0xc: {  	[smem:$0x3FB2] =	sst s4  }
0xd: {  	[smem:$0x3FB3] =	sst s5  }
0xe: {  	[smem:$0x3FB4] =	sst s6  }
0xf: {  	[smem:$0x3FB5] =	sst s7  }
0x10: {  	[smem:$0x3FB6] =	sst s8  }
0x11: {  	[smem:$0x3FB7] =	sst s9;
	s0 =	simm.s32 @!p0 $0x0  }
0x12: {  	s1 =	sld [smem:$0x3F9D];
	s0 =	simm.s32 @p0 $0x1  }
0x13: {  	[smem:$0x3FB8] =	sst s0;
	s0 =	simm.s32 @!p1 $0x0  }
0x14: {  	s2 =	sld [smem:$0x3F9C];
	s0 =	simm.s32 @p1 $0x1  }
0x15: {  	[smem:$0x3FB9] =	sst s0;
	s0 =	simm.s32 @!p2 $0x0  }
0x16: {  	s3 =	sld [smem:$0x3FDB];
	s0 =	simm.s32 @p2 $0x1  }
0x17: {  	s4 =	simm.s32 $0x1BF5;
	[smem:$0x3FBB] =	sst s0  }
0x18: {  	s0 =	sld [smem:$0x3F9E];
	_ =	swait.ge [sflag:s4], $0x0  }
0x19: {  	s7 =	sld [smem:$0x3F9F]  }
0x1a: {  	s8 =	sadd.s32 $0xFFFFE003, lr  }
0x1b: {  	s9 =	sadd.s32 $0xFFFFFEF7, lr;
	s5 =	simm.s32 $0xFFFFFFFF;
	p2 =	slt.u32 s8, $0xFFFFF086  }
0x1c: {  	p1 =	slt.u32 s9, $0xF7A;
	s5 =	simm.s32 @!p2 $0x0  }
0x1d: {  	s5 =	simm.s32 @p1 $0x1;
	p0 =	seq.s32 s7, s2  }
0x1e: {  	s7 =	smul.u32 @!p0 $0xF7A, s2;
	p2 =	seq.s32 @!p0 s5, $0x0  }
0x1f: {  	s9 =	smul.u32 $0xF7A, s1;
	s8 =	simm.s32 @!p0 $0x1BF5;
	p2 =	por !p2, p0  }
0x20: {  	[sflag:s8] =	ssyncset.s32 @!p0 $0xFFFFF086;
	s6 =	sadd.s32 @!p0 s3, s7;
	s7 =	simm.s32 @!p0 $0x108  }
0x21: {  	s3 =	sadd.s32 s3, s9;
	s6 =	sadd.s32 @!p0 $0x88, s6;
	s7 =	simm.s32 @p2 $0x1082  }
0x22: {  	[simem:s7], [sflag:s8] =	dma.local @!p0 [hbm:s6], $0xF7A  }
0x23: {  	s9 =	sor.u32 $0xD0000000, s2;
	s6 =	simm.s32 $0x108;
	_ =	swait.ge @!p0 [sflag:s8], $0x0  }
0x24: {  	s3 =	sadd.s32 $0x88, s3;
	s6 =	simm.s32 @!p1 $0x1082;
	[sflag:s4] =	ssyncset.s32 $0xFFFFF086  }
0x25: {  	[simem:s6], [sflag:s4] =	dma.local [hbm:s3], $0xF7A  }
0x26: {  	[smem:$0x3F9F] =	sst s1;
	(tag) =	ssettag s2;
	_ =	strace s9  }
0x27: {  	s1 =	sld [smem:$0x3FAF]  }
0x28: {  	s2 =	sld [smem:$0x3FB0]  }
0x29: {  	s4 =	sld [smem:$0x3FB2]  }
0x2a: {  	p0 =	seq.s32 s5, $0x0;
	s5 =	sld [smem:$0x3FB3]  }
0x2b: {  	s6 =	sld [smem:$0x3FB4]  }
0x2c: {  	s7 =	sld [smem:$0x3FB5]  }
0x2d: {  	s3 =	simm.s32 $0x108;
	s8 =	sld [smem:$0x3FB6]  }
0x2e: {  	s3 =	simm.s32 @!p0 $0x1082;
	s9 =	sld [smem:$0x3FB7]  }
0x2f: {  	lr =	sadd.s32 s0, s3;
	s0 =	sld [smem:$0x3FAE]  }
0x30: {  	s3 =	sld [smem:$0x3FB1]  }
0x31: {  	[smem:$0x3FBA] =	sst s10  }
0x32: {  	s10 =	sld [smem:$0x3FB8];
	_ =	sdelay $0x3  }
0x33: {  	p0 =	seq.s32 s10, $0x1;
	s10 =	sld [smem:$0x3FBA];
	_ =	sdelay $0x3  }
0x34: {  	[smem:$0x3FBA] =	sst s10  }
0x35: {  	s10 =	sld [smem:$0x3FB9];
	_ =	sdelay $0x3  }
0x36: {  	p1 =	seq.s32 s10, $0x1;
	s10 =	sld [smem:$0x3FBA];
	_ =	sdelay $0x3  }
0x37: {  	[smem:$0x3FBA] =	sst s10  }
0x38: {  	s10 =	sld [smem:$0x3FBB]  }
0x39: {  	_ = 	snop;
	(pc) =	sbr.ind lr, $3  }
0x3a: {  	_ = 	snop  }
0x3b: {  	_ = 	snop  }
0x3c: {  	p2 =	seq.s32 s10, $0x1;
	s10 =	sld [smem:$0x3FBA]  }
0x3d: {  	_ =	shalt  }
0x3e: {  	_ =	shalt  }
0x3f: {  	_ =	shalt  }
0x40: {  	_ =	shalt  }
0x41: {  	_ =	shalt  }
0x42: {  	_ =	shalt  }
0x43: {  	_ =	shalt  }
0x44: {  	_ =	shalt  }
0x45: {  	_ =	shalt  }
0x46: {  	_ =	shalt  }
0x47: {  	_ =	shalt  }
0x48: {  	_ =	shalt  }
0x49: {  	_ =	shalt  }
0x4a: {  	_ =	shalt  }
0x4b: {  	_ =	shalt  }
0x4c: {  	_ =	shalt  }
0x4d: {  	_ =	shalt  }
0x4e: {  	_ =	shalt  }
0x4f: {  	_ =	shalt  }
0x50: {  	_ =	shalt  }
0x51: {  	_ =	shalt  }
0x52: {  	_ =	shalt  }
0x53: {  	_ =	shalt  }
0x54: {  	_ =	shalt  }
0x55: {  	_ =	shalt  }
0x56: {  	_ =	shalt  }
0x57: {  	_ =	shalt  }
0x58: {  	_ =	shalt  }
0x59: {  	_ =	shalt  }
0x5a: {  	_ =	shalt  }
0x5b: {  	_ =	shalt  }
0x5c: {  	_ =	shalt  }
0x5d: {  	_ =	shalt  }
0x5e: {  	_ =	shalt  }
0x5f: {  	_ =	shalt  }
0x60: {  	_ =	shalt  }
0x61: {  	_ =	shalt  }
0x62: {  	_ =	shalt  }
0x63: {  	_ =	shalt  }
0x64: {  	_ =	shalt  }
0x65: {  	_ =	shalt  }
0x66: {  	_ =	shalt  }
0x67: {  	_ =	shalt  }
0x68: {  	_ =	shalt  }
0x69: {  	_ =	shalt  }
0x6a: {  	_ =	shalt  }
0x6b: {  	_ =	shalt  }
0x6c: {  	_ =	shalt  }
0x6d: {  	_ =	shalt  }
0x6e: {  	_ =	shalt  }
0x6f: {  	_ =	shalt  }
0x70: {  	_ =	shalt  }
0x71: {  	_ =	shalt  }
0x72: {  	_ =	shalt  }
0x73: {  	_ =	shalt  }
0x74: {  	_ =	shalt  }
0x75: {  	_ =	shalt  }
0x76: {  	_ =	shalt  }
0x77: {  	_ =	shalt  }
0x78: {  	_ =	shalt  }
0x79: {  	_ =	shalt  }
0x7a: {  	_ =	shalt  }
0x7b: {  	_ =	shalt  }
0x7c: {  	_ =	shalt  }
0x7d: {  	_ =	shalt  }
0x7e: {  	_ =	shalt  }
0x7f: {  	_ =	shalt  }
0x80: {  	_ =	shalt  }
0x81: {  	_ =	shalt  }
0x82: {  	_ =	shalt  }
0x83: {  	_ =	shalt  }
0x84: {  	_ =	shalt  }
0x85: {  	_ =	shalt  }
0x86: {  	_ =	shalt  }
0x87: {  	_ =	shalt  }
.Lfunc_end0:
.L_simem_size_0:
called_computation.1_lowered:
.L_overlay_start_0:
0x88: {  	s2 =	sld [smem:$0x3FD9]  }
0x89: {  	s3 =	sld [smem:$0x3FFE];
	_ =	sdelay $0x1  }
0x8a: {  	s1 =	srdreg.scid  }
0x8b: {  	s0 =	sand.u32 $0x1, s1  }
0x8c: {  	s17 =	sshll.u32 s0, $0xA;
	s2 =	sadd.s32 s3, s2  }
0x8d: {  	s2 =	sadd.s32 s2, s17  }
0x8e: {  	[smem:$0x3FC6] =	sst s2  }
0x8f: {  	_ = 	snop  }
0x90: {  	s2 =	sld [smem:$0x3FD0];
	(tm) =	ssettm $0x1  }
0x91: {  	s18 =	sld [smem:$0x3FFB];
	_ =	sdelay $0x3  }
0x92: {  	_ =	strace s18  }
0x93: {  	s3 =	sld [smem:$0x3FFC];
	_ =	sdelay $0x3  }
0x94: {  	_ =	strace s3  }
0x95: {  	s3 =	sld [smem:$0x3FFD];
	_ =	sdelay $0x3  }
0x96: {  	_ =	strace s3  }
0x97: {  	_ =	strace $0x8FFFFFFF  }
0x98: {  	s19 =	sld [smem:$0x3FDB];
	_ =	sdelay $0x1  }
0x99: {  	s4 =	simm.s32 $_scs_section_size  }
0x9a: {  	s5 =	simm.s32 $_size__tile_overlayer_lowered;
	s6 =	simm.s32 $_tile_overlayer_lowered  }
0x9b: {  	s22 =	simm.s32 $0x1BFF;
	s21 =	sshll.u32 s6, $0x1;
	s3 =	sadd.s32 s4, s19  }
0x9c: {  	s7 =	simm.s32 $0x0;
	s20 =	sshll.u32 s5, $0x1;
	s5 =	sadd.s32 s21, s3  }
0x9d: {  	[timem:s7], [sflag:s22] =	dma.local [hbm:s5], s20  }
0x9e: {  	_ =	swait.ge [sflag:s22], s20  }
0x9f: {  	s4 =	ssub.s32 $0x0, s20;
	[sflag:s22] =	ssyncset.done $0x0  }
0xa0: {  	[sflag:s22] =	ssyncadd.s32 s4;
	_ =	sdelay $0x1  }
0xa1: {  	s23 =	simm.s32 $0x1B8B  }
0xa2: {  	_ =	swait.ge [sflag:s23], $0x1  }
0xa3: {  	[sflag:s23] =	ssyncset.done $0x0  }
0xa4: {  	s25 =	simm.s32 $0x1B8E;
	s24 =	sld [smem:$0x3FFE];
	[sflag:s23] =	ssyncadd.s32 $0xFFFFFFFF  }
0xa5: {  	s26 =	simm.s32 $execute0_lowered;
	[smem:$0x3FD2] =	sst s25  }
0xa6: {  	s5 =	sshll.u32 s26, $0x1;
	_ =	strace $0x80000046;
	[dreg:$0x1] =	wrdreg $0xFFFFFFFF  }
0xa7: {  	s28 =	simm.s32 $_size_execute0_lowered;
	s3 =	sadd.s32 s3, s5;
	[dreg:$0x0] =	wrdreg $0x0  }
0xa8: {  	s5 =	sshll.u32 s28, $0x1;
	[dreg:$0x2] =	wrdreg s3  }
0xa9: {  	[dreg:$0x3] =	wrdreg s5  }
0xaa: {  	[dreg:$0x4] =	wrdreg $0xC0  }
0xab: {  	_ =	task [dreg:s7], $0x5FFFF  }
0xac: {  	[dreg:$0x1] =	wrdreg $0xFFFFFFFF  }
0xad: {  	[dreg:$0x0] =	wrdreg $0x60  }
0xae: {  	[dreg:$0x2] =	wrdreg s24  }
0xaf: {  	[dreg:$0x3] =	wrdreg s2  }
0xb0: {  	[dreg:$0x4] =	wrdreg $0x9  }
0xb1: {  	_ =	task.clear_ibuf [dreg:s7], $0x5FFFF;
	_ =	strace $0x90000046  }
0xb2: {  	s29 =	simm.s32 $0x9;
	_ =	strace $0x80000048  }
0xb3: {  	_ =	swait.ge [sflag:s29], $0x1  }
0xb4: {  	[sflag:s29] =	ssyncadd.s32 $0xFFFFFFFF  }
0xb5: {  	_ =	strace $0x90000048  }
0xb6: {  	_ =	sfence  }
0xb7: {  	s30 =	sld [smem:$0x0];
	_ =	sdelay $0x2  }
0xb8: {  	s31 =	sshll.u32 s1, $0xD;
	s1 =	sshrl.u32 s1, $0x2  }
0xb9: {  	s3 =	sand.u32 $0x4000, s31;
	s1 =	sadd.s32 s1, s30  }
0xba: {  	s0 =	sor.u32 s3, s0;
	s1 =	sshll.u32 s1, $0x11  }
0xbb: {  	s0 =	sor.u32 s1, s0  }
0xbc: {  	s0 =	sadd.s32 $0x8F2B, s0  }
0xbd: {  	[sflag:s0] =	ssyncadd.remote.s32 $0x1  }
0xbe: {  	_ =	sfence.sel $0xFFFF  }
0xbf: {  	[dreg:$0x0] =	wrdreg $0xFFFFFFFF;
	(pc) =	sbr.abs _section_cstart, $3  }
0xc0: {  	[dreg:$0x1] =	wrdreg $0xFFFFFFFF  }
0xc1: {  	_ =	task.clear_ibuf [dreg:s7], $0x2FFFF;
	_ =	strace $0x9FFFFFFF  }
0xc2: {  	(tm) =	ssettm $0x7FFFFFFF  }
0xc3: {  	_ =	shalt  }
tec
execute0_lowered:
.L_overlay_start_1:
0x0: {  	(tag) =	ssettag $0x1  }
0x1: {  	s0 =	rddreg [dreg:$0x0];
	s1 =	srdreg.scid  }
0x2: {  	s7 =	stileid.u32;
	s11 =	rddreg [dreg:$0x1];
	s2 =	simm.s32 $0x0  }
0x3: {  	s12 =	simm.s32 $0x5;
	s13 =	simm.s32 $0x80;
	s14 =	simm.s32 $0x6400  }
0x4: {  	s15 =	simm.s32 $0x8400;
	s17 =	simm.s32 $0xA400;
	s19 =	simm.s32 $0xC400  }
0x5: {  	s21 =	simm.s32 $0xE400;
	s28 =	simm.s32 $0x14400;
	s30 =	simm.s32 $0x16400  }
0x6: {  	s16 =	simm.s32 $0x3;
	s29 =	simm.s32 $0x2;
	s8 =	smul.u32 $0x64000, s7  }
0x7: {  	s31 =	simm.s32 $0x4;
	s1 =	sand.u32 $0x1, s1;
	s9 =	smul.u32 $0x190, s7  }
0x8: {  	s18 =	simm.s32 $0x0;
	s3 =	sshll.u32 s7, $0x1;
	s10 =	smul.u32 $0xC8, s1  }
0x9: {  	[smem:$0x7FF] =	sst s2;
	s3 =	sor.u32 s1, s3;
	s23 =	smul.u32 $0x32000, s1  }
0xa: {  	_ =	strace $0x80000047;
	s5 =	ssub.s32 $0x2, s1;
	s4 =	smul.u32 $0xC80, s3  }
0xb: {  	s1 =	simm.s32 $0x18400;
	s6 =	smul.u32 $0x32000, s3;
	s3 =	sadd.s32 $0xF42E00, s0  }
0xc: {  	s22 =	sshrl.u32 s5, $0x1;
	s24 =	sadd.s32 s8, s11;
	s9 =	sadd.s32 s10, s9  }
0xd: {  	s4 =	sadd.s32 s4, s0;
	s0 =	ssub.s32 s5, s22;
	s6 =	sadd.s32 s11, s6  }
0xe: {  	s25 =	sshll.u32 s9, $0xA;
	s4 =	sadd.s32 $0xA00, s4;
	s0 =	smax.u32 s0, $0x1  }
0xf: {  	s7 =	sadd.s32 $0x1400, s6;
	s8 =	sadd.s32 $0x2F800, s6;
	s9 =	sadd.s32 $0x30C00, s6  }
0x10: {  	s26 =	sadd.s32 s11, s25;
	s25 =	simm.s32 $0x12400;
	[dreg:$0x3] =	wrdreg s4  }
0x11: {  	[dreg:$0x4] =	wrdreg s0;
	s0 =	sadd.s32 s23, s24;
	s26 =	sadd.s32 $0x3C00, s26  }
0x12: {  	s23 =	simm.s32 $0x10400;
	s10 =	sadd.s32 $0x2800, s0;
	s0 =	simm.s32 $0x1  }
.LBB2_1:
0x13: {  	s4 =	rddreg [dreg:$0x3]  }
0x14: {  	[tilespmem:s2], [sflag:$0x5] =	stream.linear.gather [hbm4b:s4+s2], $0x6400, $0x38;
	[tilespmem:$0x1A400] =	vst v63  }
0x15: {  	_ =	swait.ge [sflag:s12], $0x6400  }
0x16: {  	[sflag:s12] =	ssyncset.done $0x0  }
0x17: {  	[sflag:s12] =	ssyncadd.s32 $0xFFFF9C00  }
0x18: {  	[tilespmem:s14], [sflag:$0x1] =	stream.indirect.gather [hbm4b:s3+s13], $0x40, s2, s13, $0xb8;
	[tilespmem:$0x1A400] =	vst v63  }
0x19: {  	_ = 	snop  }
0x1a: {  	[tilespmem:s15], [sflag:$0x1] =	stream.indirect.gather [hbm4b:s3+s13], $0x40, s13, s13, $0xb8;
	[tilespmem:$0x1A400] =	vst v63  }
0x1b: {  	s20 =	simm.s32 $0x100  }
0x1c: {  	[tilespmem:s17], [sflag:$0x1] =	stream.indirect.gather [hbm4b:s3+s13], $0x40, s20, s13, $0xb8;
	[tilespmem:$0x1A400] =	vst v63  }
0x1d: {  	s22 =	simm.s32 $0x180  }
0x1e: {  	[tilespmem:s19], [sflag:$0x1] =	stream.indirect.gather [hbm4b:s3+s13], $0x40, s22, s13, $0xb8;
	[tilespmem:$0x1A400] =	vst v63  }
0x1f: {  	s24 =	simm.s32 $0x200  }
0x20: {  	[tilespmem:s21], [sflag:$0x1] =	stream.indirect.gather [hbm4b:s3+s13], $0x40, s24, s13, $0xb8;
	[tilespmem:$0x1A400] =	vst v63  }
0x21: {  	s5 =	simm.s32 $0x280  }
0x22: {  	[tilespmem:s23], [sflag:$0x2] =	stream.indirect.gather [hbm4b:s3+s13], $0x40, s5, s13, $0xb8;
	[tilespmem:$0x1A400] =	vst v63  }
0x23: {  	s11 =	simm.s32 $0x300  }
0x24: {  	[tilespmem:s25], [sflag:$0x2] =	stream.indirect.gather [hbm4b:s3+s13], $0x40, s11, s13, $0xb8;
	[tilespmem:$0x1A400] =	vst v63  }
0x25: {  	s20 =	simm.s32 $0x380  }
0x26: {  	[tilespmem:s28], [sflag:$0x2] =	stream.indirect.gather [hbm4b:s3+s13], $0x40, s20, s13, $0xb8;
	[tilespmem:$0x1A400] =	vst v63  }
0x27: {  	s22 =	simm.s32 $0x400  }
0x28: {  	[tilespmem:s30], [sflag:$0x2] =	stream.indirect.gather [hbm4b:s3+s13], $0x40, s22, s13, $0xb8;
	[tilespmem:$0x1A400] =	vst v63  }
0x29: {  	s24 =	simm.s32 $0x480  }
0x2a: {  	[tilespmem:s1], [sflag:$0x2] =	stream.indirect.gather [hbm4b:s3+s13], $0x40, s24, s13, $0xb8;
	[tilespmem:$0x1A400] =	vst v63  }
0x2b: {  	_ =	swait.ge [sflag:s0], $0xA000  }
0x2c: {  	[sflag:s0] =	ssyncset.done $0x0  }
0x2d: {  	[sflag:s0] =	ssyncadd.s32 $0xFFFF6000  }
0x2e: {  	[hbm4b:s6+s2] =	stream.linear.scatter [tilespmem:s14], [sflag:$0x3], $0xA000, $0x38;
	[tilespmem:$0x1A400] =	vst v63  }
0x2f: {  	_ =	swait.ge [sflag:s16], $0xA000  }
0x30: {  	[sflag:s16] =	ssyncset.done $0x0  }
0x31: {  	s5 =	simm.s32 $0x500;
	[sflag:s16] =	ssyncadd.s32 $0xFFFF6000  }
0x32: {  	[tilespmem:s14], [sflag:$0x1] =	stream.indirect.gather [hbm4b:s3+s13], $0x40, s5, s13, $0xb8;
	[tilespmem:$0x1A400] =	vst v63  }
0x33: {  	s11 =	simm.s32 $0x580  }
0x34: {  	[tilespmem:s15], [sflag:$0x1] =	stream.indirect.gather [hbm4b:s3+s13], $0x40, s11, s13, $0xb8;
	[tilespmem:$0x1A400] =	vst v63  }
0x35: {  	s20 =	simm.s32 $0x600  }
0x36: {  	[tilespmem:s17], [sflag:$0x1] =	stream.indirect.gather [hbm4b:s3+s13], $0x40, s20, s13, $0xb8;
	[tilespmem:$0x1A400] =	vst v63  }
0x37: {  	s22 =	simm.s32 $0x680  }
0x38: {  	[tilespmem:s19], [sflag:$0x1] =	stream.indirect.gather [hbm4b:s3+s13], $0x40, s22, s13, $0xb8;
	[tilespmem:$0x1A400] =	vst v63  }
0x39: {  	s24 =	simm.s32 $0x700  }
0x3a: {  	[tilespmem:s21], [sflag:$0x1] =	stream.indirect.gather [hbm4b:s3+s13], $0x40, s24, s13, $0xb8;
	[tilespmem:$0x1A400] =	vst v63  }
0x3b: {  	_ =	swait.ge [sflag:s29], $0xA000  }
0x3c: {  	[sflag:s29] =	ssyncset.done $0x0  }
0x3d: {  	[sflag:s29] =	ssyncadd.s32 $0xFFFF6000  }
0x3e: {  	[hbm4b:s7+s2] =	stream.linear.scatter [tilespmem:s23], [sflag:$0x4], $0xA000, $0x38;
	[tilespmem:$0x1A400] =	vst v63  }
0x3f: {  	_ =	swait.ge [sflag:s31], $0xA000  }
0x40: {  	[sflag:s31] =	ssyncset.done $0x0  }
0x41: {  	s11 =	simm.s32 $0x780;
	[sflag:s31] =	ssyncadd.s32 $0xFFFF6000  }
0x42: {  	[tilespmem:s23], [sflag:$0x2] =	stream.indirect.gather [hbm4b:s3+s13], $0x40, s11, s13, $0xb8;
	[tilespmem:$0x1A400] =	vst v63  }
0x43: {  	s5 =	simm.s32 $0x800  }
0x44: {  	[tilespmem:s25], [sflag:$0x2] =	stream.indirect.gather [hbm4b:s3+s13], $0x40, s5, s13, $0xb8;
	[tilespmem:$0x1A400] =	vst v63  }
0x45: {  	s20 =	simm.s32 $0x880  }
0x46: {  	[tilespmem:s28], [sflag:$0x2] =	stream.indirect.gather [hbm4b:s3+s13], $0x40, s20, s13, $0xb8;
	[tilespmem:$0x1A400] =	vst v63  }
0x47: {  	s22 =	simm.s32 $0x900  }
0x48: {  	[tilespmem:s30], [sflag:$0x2] =	stream.indirect.gather [hbm4b:s3+s13], $0x40, s22, s13, $0xb8;
	[tilespmem:$0x1A400] =	vst v63  }
0x49: {  	s24 =	simm.s32 $0x980  }
0x4a: {  	[tilespmem:s1], [sflag:$0x2] =	stream.indirect.gather [hbm4b:s3+s13], $0x40, s24, s13, $0xb8;
	[tilespmem:$0x1A400] =	vst v63  }
0x4b: {  	_ =	swait.ge [sflag:s0], $0xA000  }
0x4c: {  	[sflag:s0] =	ssyncset.done $0x0  }
0x4d: {  	[sflag:s0] =	ssyncadd.s32 $0xFFFF6000  }
0x4e: {  	[hbm4b:s10+s2] =	stream.linear.scatter [tilespmem:s14], [sflag:$0x3], $0xA000, $0x38;
	[tilespmem:$0x1A400] =	vst v63  }
0x4f: {  	_ =	swait.ge [sflag:s16], $0xA000  }
0x50: {  	[sflag:s16] =	ssyncset.done $0x0  }
0x51: {  	s4 =	simm.s32 $0xA00;
	[sflag:s16] =	ssyncadd.s32 $0xFFFF6000  }
0x52: {  	[tilespmem:s14], [sflag:$0x1] =	stream.indirect.gather [hbm4b:s3+s13], $0x40, s4, s13, $0xb8;
	[tilespmem:$0x1A400] =	vst v63  }
0x53: {  	s5 =	simm.s32 $0xA80  }
0x54: {  	[tilespmem:s15], [sflag:$0x1] =	stream.indirect.gather [hbm4b:s3+s13], $0x40, s5, s13, $0xb8;
	[tilespmem:$0x1A400] =	vst v63  }
0x55: {  	s20 =	simm.s32 $0xB00  }
0x56: {  	[tilespmem:s17], [sflag:$0x1] =	stream.indirect.gather [hbm4b:s3+s13], $0x40, s20, s13, $0xb8;
	[tilespmem:$0x1A400] =	vst v63  }
0x57: {  	s22 =	simm.s32 $0xB80  }
0x58: {  	[tilespmem:s19], [sflag:$0x1] =	stream.indirect.gather [hbm4b:s3+s13], $0x40, s22, s13, $0xb8;
	[tilespmem:$0x1A400] =	vst v63  }
0x59: {  	s24 =	simm.s32 $0xC00  }
0x5a: {  	[tilespmem:s21], [sflag:$0x1] =	stream.indirect.gather [hbm4b:s3+s13], $0x40, s24, s13, $0xb8;
	[tilespmem:$0x1A400] =	vst v63  }
0x5b: {  	_ =	swait.ge [sflag:s29], $0xA000  }
0x5c: {  	s11 =	smov.u32 s26;
	s20 =	simm.s32 $0x1400;
	[sflag:s29] =	ssyncset.done $0x0  }
0x5d: {  	s22 =	sadd.s32 $0x2800, s10;
	s24 =	sadd.s32 $0x2800, s26;
	[sflag:s29] =	ssyncadd.s32 $0xFFFF6000  }
.LBB2_2:
0x5e: {  	[hbm4b:s11+s2] =	stream.linear.scatter [tilespmem:s23], [sflag:$0x4], $0xA000, $0x38;
	[tilespmem:$0x1A400] =	vst v63  }
0x5f: {  	s4 =	smov.u32 s20;
	s11 =	smov.u32 s24  }
0x60: {  	p0 =	sne.s32 s20, $0x15400;
	s20 =	sadd.s32 $0x1400, s20;
	_ =	swait.ge [sflag:s31], $0xA000  }
0x61: {  	s4 =	sshra.s32 s4, $0x2;
	[sflag:s31] =	ssyncset.done $0x0  }
0x62: {  	s5 =	sadd.s32 $0x780, s4;
	[sflag:s31] =	ssyncadd.s32 $0xFFFF6000  }
0x63: {  	[tilespmem:s23], [sflag:$0x2] =	stream.indirect.gather [hbm4b:s3+s13], $0x40, s5, s13, $0xb8;
	[tilespmem:$0x1A400] =	vst v63  }
0x64: {  	s5 =	sadd.s32 $0x800, s4  }
0x65: {  	[tilespmem:s25], [sflag:$0x2] =	stream.indirect.gather [hbm4b:s3+s13], $0x40, s5, s13, $0xb8;
	[tilespmem:$0x1A400] =	vst v63  }
0x66: {  	s5 =	sadd.s32 $0x880, s4  }
0x67: {  	[tilespmem:s28], [sflag:$0x2] =	stream.indirect.gather [hbm4b:s3+s13], $0x40, s5, s13, $0xb8;
	[tilespmem:$0x1A400] =	vst v63  }
0x68: {  	s5 =	sadd.s32 $0x900, s4  }
0x69: {  	[tilespmem:s30], [sflag:$0x2] =	stream.indirect.gather [hbm4b:s3+s13], $0x40, s5, s13, $0xb8;
	[tilespmem:$0x1A400] =	vst v63  }
0x6a: {  	s5 =	sadd.s32 $0x980, s4  }
0x6b: {  	[tilespmem:s1], [sflag:$0x2] =	stream.indirect.gather [hbm4b:s3+s13], $0x40, s5, s13, $0xb8;
	[tilespmem:$0x1A400] =	vst v63  }
0x6c: {  	_ =	swait.ge [sflag:s0], $0xA000  }
0x6d: {  	[sflag:s0] =	ssyncset.done $0x0  }
0x6e: {  	[sflag:s0] =	ssyncadd.s32 $0xFFFF6000  }
0x6f: {  	[hbm4b:s22+s2] =	stream.linear.scatter [tilespmem:s14], [sflag:$0x3], $0xA000, $0x38;
	[tilespmem:$0x1A400] =	vst v63  }
0x70: {  	_ =	swait.ge [sflag:s16], $0xA000  }
0x71: {  	[sflag:s16] =	ssyncset.done $0x0  }
0x72: {  	s5 =	sadd.s32 $0xA00, s4;
	[sflag:s16] =	ssyncadd.s32 $0xFFFF6000  }
0x73: {  	[tilespmem:s14], [sflag:$0x1] =	stream.indirect.gather [hbm4b:s3+s13], $0x40, s5, s13, $0xb8;
	[tilespmem:$0x1A400] =	vst v63  }
0x74: {  	s5 =	sadd.s32 $0xA80, s4  }
0x75: {  	[tilespmem:s15], [sflag:$0x1] =	stream.indirect.gather [hbm4b:s3+s13], $0x40, s5, s13, $0xb8;
	[tilespmem:$0x1A400] =	vst v63  }
0x76: {  	s5 =	sadd.s32 $0xB00, s4  }
0x77: {  	[tilespmem:s17], [sflag:$0x1] =	stream.indirect.gather [hbm4b:s3+s13], $0x40, s5, s13, $0xb8;
	[tilespmem:$0x1A400] =	vst v63  }
0x78: {  	s5 =	sadd.s32 $0xB80, s4  }
0x79: {  	[tilespmem:s19], [sflag:$0x1] =	stream.indirect.gather [hbm4b:s3+s13], $0x40, s5, s13, $0xb8;
	[tilespmem:$0x1A400] =	vst v63  }
.Ltmp0:
0x7a: {  	s4 =	sadd.s32 $0xC00, s4;
	(pc) =	sbr.rel @p0 .LBB2_2-.Ltmp0, $4  }
0x7b: {  	[tilespmem:s21], [sflag:$0x1] =	stream.indirect.gather [hbm4b:s3+s13], $0x40, s4, s13, $0xb8;
	[tilespmem:$0x1A400] =	vst v63  }
0x7c: {  	_ =	swait.ge [sflag:s29], $0xA000  }
0x7d: {  	[sflag:s29] =	ssyncset.done $0x0  }
0x7e: {  	s24 =	sadd.s32 $0x2800, s24;
	s22 =	sadd.s32 $0x2800, s22;
	[sflag:s29] =	ssyncadd.s32 $0xFFFF6000  }
0x7f: {  	[hbm4b:s11+s2] =	stream.linear.scatter [tilespmem:s23], [sflag:$0x4], $0xA000, $0x38;
	[tilespmem:$0x1A400] =	vst v63  }
0x80: {  	_ =	swait.ge [sflag:s31], $0xA000  }
0x81: {  	[sflag:s31] =	ssyncset.done $0x0  }
0x82: {  	s4 =	simm.s32 $0x6180;
	[sflag:s31] =	ssyncadd.s32 $0xFFFF6000  }
0x83: {  	[tilespmem:s23], [sflag:$0x2] =	stream.indirect.gather [hbm4b:s3+s13], $0x40, s4, s13, $0xb8;
	[tilespmem:$0x1A400] =	vst v63  }
0x84: {  	s5 =	simm.s32 $0x6200  }
0x85: {  	[tilespmem:s25], [sflag:$0x2] =	stream.indirect.gather [hbm4b:s3+s13], $0x40, s5, s13, $0xb8;
	[tilespmem:$0x1A400] =	vst v63  }
0x86: {  	s11 =	simm.s32 $0x6280  }
0x87: {  	[tilespmem:s28], [sflag:$0x2] =	stream.indirect.gather [hbm4b:s3+s13], $0x40, s11, s13, $0xb8;
	[tilespmem:$0x1A400] =	vst v63  }
0x88: {  	s20 =	simm.s32 $0x6300  }
0x89: {  	[tilespmem:s30], [sflag:$0x2] =	stream.indirect.gather [hbm4b:s3+s13], $0x40, s20, s13, $0xb8;
	[tilespmem:$0x1A400] =	vst v63  }
0x8a: {  	s22 =	simm.s32 $0x6380  }
0x8b: {  	[tilespmem:s1], [sflag:$0x2] =	stream.indirect.gather [hbm4b:s3+s13], $0x40, s22, s13, $0xb8;
	[tilespmem:$0x1A400] =	vst v63  }
0x8c: {  	_ =	swait.ge [sflag:s0], $0xA000  }
0x8d: {  	[sflag:s0] =	ssyncset.done $0x0  }
0x8e: {  	[sflag:s0] =	ssyncadd.s32 $0xFFFF6000  }
0x8f: {  	[hbm4b:s8+s2] =	stream.linear.scatter [tilespmem:s14], [sflag:$0x3], $0xA000, $0x38;
	[tilespmem:$0x1A400] =	vst v63  }
0x90: {  	_ =	swait.ge [sflag:s29], $0xA000  }
0x91: {  	[sflag:s29] =	ssyncset.done $0x0  }
0x92: {  	[sflag:s29] =	ssyncadd.s32 $0xFFFF6000  }
0x93: {  	[hbm4b:s9+s2] =	stream.linear.scatter [tilespmem:s23], [sflag:$0x4], $0xA000, $0x38;
	[tilespmem:$0x1A400] =	vst v63  }
0x94: {  	_ =	swait.ge [sflag:s16], $0xA000  }
0x95: {  	[sflag:s16] =	ssyncset.done $0x0  }
0x96: {  	[sflag:s16] =	ssyncadd.s32 $0xFFFF6000  }
0x97: {  	_ =	swait.ge [sflag:s31], $0xA000  }
0x98: {  	s18 =	sadd.s32 $0x1, s18;
	s24 =	rddreg [dreg:$0x4]  }
0x99: {  	p0 =	sne.s32 s18, s24  }
.Ltmp1:
0x9a: {  	_ = 	snop;
	(pc) =	sbr.rel @p0 .LBB2_1-.Ltmp1, $3  }
0x9b: {  	_ =	sdelay $0x1  }
0x9c: {  	[sflag:s31] =	ssyncset.done $0x0  }
0x9d: {  	[sflag:s31] =	ssyncadd.s32 $0xFFFF6000  }
0x9e: {  	_ =	sfence.sel $0x180000  }
0x9f: {  	[bflag:$0x0] =	sbarrier.arrive $0xFFFF  }
0xa0: {  	_ =	strace $0x90000047  }
0xa1: {  	s0 =	stileid.u32;
	[bflag:$0x2] =	sbarrier.arrive $0xFFFF  }
0xa2: {  	p0 =	sne.s32 s0, $0x0;
	s0 =	rddreg [dreg:$0x2]  }
0xa3: {  	s0 =	sadd.s32 @!p0 $0x100000, s0  }
0xa4: {  	[sflag:s0] =	ssyncadd.tile.s32 @!p0 $0x1;
	_ =	shalt  }
.Lfunc_end2:
_tile_overlayer_lowered:
.L_overlay_start_2:
0xa5: {  	(tag) =	ssettag $0x2  }
0xa6: {  	s0 =	rddreg [dreg:$0x0];
	s2 =	stileid.u32  }
0xa7: {  	s1 =	rddreg [dreg:$0x1];
	p0 =	sne.s32 s2, $0x0  }
0xa8: {  	s3 =	rddreg [dreg:$0x2];
	[bflag:$0x3] =	sbarrier.arrive $0xFFFF;
	s2 =	simm.s32 @!p0 $0x1C05  }
0xa9: {  	[timem:s3], [sflag:s2] =	dma.local @!p0 [hbm:s0], s1  }
0xaa: {  	s0 =	simm.s32 @!p0 $0x5  }
0xab: {  	_ =	swait.ge @!p0 [sflag:s0], s1  }
0xac: {  	s1 =	ssub.s32 @!p0 $0x0, s1;
	[sflag:s0] =	ssyncset.done @!p0 $0x0  }
0xad: {  	[sflag:s0] =	ssyncadd.s32 @!p0 s1  }
0xae: {  	[bflag:$0x3] =	sbarrier.arrive $0xFFFF  }
0xaf: {  	_ =	shalt  }

// kernel: sparse-core-data-format-call.cloned.1.call-start
scs
called_computation_lowered:
.L_overlay_start_0:
0x0: {  	s2 =	sld [smem:$0x3FD9]  }
0x1: {  	s3 =	sld [smem:$0x3FFE];
	_ =	sdelay $0x1  }
0x2: {  	s1 =	srdreg.scid  }
0x3: {  	s0 =	sand.u32 $0x1, s1  }
0x4: {  	s18 =	sshll.u32 s0, $0xA;
	s2 =	sadd.s32 s3, s2  }
0x5: {  	s2 =	sadd.s32 s2, s18  }
0x6: {  	[smem:$0x3FC6] =	sst s2  }
0x7: {  	_ = 	snop  }
0x8: {  	s2 =	sld [smem:$0x3FD0];
	(tm) =	ssettm $0x1  }
0x9: {  	s19 =	sld [smem:$0x3FFB];
	_ =	sdelay $0x3  }
0xa: {  	_ =	strace s19  }
0xb: {  	s3 =	sld [smem:$0x3FFC];
	_ =	sdelay $0x3  }
0xc: {  	_ =	strace s3  }
0xd: {  	s3 =	sld [smem:$0x3FFD];
	_ =	sdelay $0x3  }
0xe: {  	_ =	strace s3  }
0xf: {  	_ =	strace $0x8FFFFFFF  }
0x10: {  	s20 =	sld [smem:$0x3FDB];
	_ =	sdelay $0x1  }
0x11: {  	s4 =	simm.s32 $_scs_section_size  }
0x12: {  	s5 =	simm.s32 $_size__tile_overlayer_lowered;
	s6 =	simm.s32 $_tile_overlayer_lowered  }
0x13: {  	s23 =	simm.s32 $0x1BFF;
	s22 =	sshll.u32 s6, $0x1;
	s3 =	sadd.s32 s4, s20  }
0x14: {  	s7 =	simm.s32 $0x0;
	s21 =	sshll.u32 s5, $0x1;
	s5 =	sadd.s32 s22, s3  }
0x15: {  	[timem:s7], [sflag:s23] =	dma.local [hbm:s5], s21  }
0x16: {  	_ =	swait.ge [sflag:s23], s21  }
0x17: {  	s4 =	ssub.s32 $0x0, s21;
	[sflag:s23] =	ssyncset.done $0x0  }
0x18: {  	[sflag:s23] =	ssyncadd.s32 s4;
	_ =	sdelay $0x1  }
0x19: {  	s24 =	simm.s32 $0x1B8B  }
0x1a: {  	_ =	swait.ge [sflag:s24], $0x1  }
0x1b: {  	[sflag:s24] =	ssyncset.done $0x0  }
0x1c: {  	s26 =	simm.s32 $0x1B8E;
	s25 =	sld [smem:$0x3FFE];
	[sflag:s24] =	ssyncadd.s32 $0xFFFFFFFF  }
0x1d: {  	s27 =	simm.s32 $execute0_lowered;
	[smem:$0x3FD2] =	sst s26  }
0x1e: {  	s5 =	sshll.u32 s27, $0x1;
	_ =	strace $0x80000049;
	[dreg:$0x1] =	wrdreg $0xFFFFFFFF  }
0x1f: {  	s28 =	simm.s32 $_size_execute0_lowered;
	s3 =	sadd.s32 s3, s5;
	[dreg:$0x0] =	wrdreg $0x0  }
0x20: {  	s5 =	sshll.u32 s28, $0x1;
	[dreg:$0x2] =	wrdreg s3  }
0x21: {  	[dreg:$0x3] =	wrdreg s5  }
0x22: {  	[dreg:$0x4] =	wrdreg $0xC0  }
0x23: {  	_ =	task [dreg:s7], $0x5FFFF  }
0x24: {  	[dreg:$0x1] =	wrdreg $0xFFFFFFFF  }
0x25: {  	[dreg:$0x0] =	wrdreg $0x60  }
0x26: {  	[dreg:$0x2] =	wrdreg s25  }
0x27: {  	[dreg:$0x3] =	wrdreg s2  }
0x28: {  	[dreg:$0x4] =	wrdreg $0x9  }
0x29: {  	_ =	task.clear_ibuf [dreg:s7], $0x5FFFF;
	_ =	strace $0x90000049  }
0x2a: {  	s29 =	simm.s32 $0x9;
	_ =	strace $0x8000004B  }
0x2b: {  	_ =	swait.ge [sflag:s29], $0x1  }
0x2c: {  	[sflag:s29] =	ssyncadd.s32 $0xFFFFFFFF  }
0x2d: {  	_ =	strace $0x9000004B  }
0x2e: {  	_ =	sfence  }
0x2f: {  	s30 =	sld [smem:$0x0];
	_ =	sdelay $0x2  }
0x30: {  	s31 =	sshll.u32 s1, $0xD;
	s1 =	sshrl.u32 s1, $0x2  }
0x31: {  	s3 =	sand.u32 $0x4000, s31;
	s1 =	sadd.s32 s1, s30  }
0x32: {  	s0 =	sor.u32 s3, s0;
	s1 =	sshll.u32 s1, $0x11  }
0x33: {  	s0 =	sor.u32 s1, s0  }
0x34: {  	s0 =	sadd.s32 $0x8F2B, s0  }
0x35: {  	[sflag:s0] =	ssyncadd.remote.s32 $0x1  }
0x36: {  	_ =	sfence.sel $0xFFFF  }
0x37: {  	[dreg:$0x0] =	wrdreg $0xFFFFFFFF;
	(pc) =	sbr.abs _section_cstart, $3  }
0x38: {  	[dreg:$0x1] =	wrdreg $0xFFFFFFFF  }
0x39: {  	_ =	task.clear_ibuf [dreg:s7], $0x2FFFF;
	_ =	strace $0x9FFFFFFF  }
0x3a: {  	(tm) =	ssettm $0x7FFFFFFF  }
0x3b: {  	_ =	shalt  }
tec
execute0_lowered:
.L_overlay_start_1:
0x0: {  	(tag) =	ssettag $0x1  }
0x1: {  	s0 =	srdreg.scid  }
0x2: {  	s1 =	sshll.u32 s0, $0x4  }
0x3: {  	s0 =	stileid.u32;
	s1 =	sand.u32 $0x10, s1  }
0x4: {  	s1 =	sor.u32 s0, s1  }
0x5: {  	s6 =	rddreg [dreg:$0x0];
	s4 =	simm.s32 $0x1;
	s2 =	sshll.u32 s1, $0x7  }
0x6: {  	s7 =	simm.s32 $0x2;
	s12 =	simm.s32 $0x0;
	s1 =	ssub.s32 $0x4000, s2  }
0x7: {  	s8 =	simm.s32 $0x20000;
	s13 =	simm.s32 $0x0;
	s3 =	sand.u32 $0xF80, s1  }
0x8: {  	s9 =	simm.s32 $0x0;
	s5 =	sshrl.u32 s1, $0xC;
	p0 =	sne.s32 s3, $0x0  }
.Ltmp0:
0x9: {  	s1 =	rddreg [dreg:$0x2];
	s4 =	simm.s32 @!p0 $0x0;
	(pc) =	sbr.rel .LBB1_1-.Ltmp0, $4  }
0xa: {  	s11 =	simm.s32 $0x0;
	s3 =	rddreg [dreg:$0x1];
	s5 =	sadd.s32 s4, s5  }
0xb: {  	_ =	strace $0x8000004A;
	s4 =	simm.s32 $0x1;
	s5 =	smul.u32 $0x32, s5  }
0xc: {  	s6 =	sadd.s32 $0xA00, s6;
	s10 =	smov.u32 s2;
	[sflag:s4] =	ssyncpa.u1 $0x0  }
0xd: {  	p0 =	por $0x0, $0x0;
	[sflag:s7] =	ssyncpa.u1 $0x0;
	s7 =	sor.u32 $0x1, s5  }
.LBB1_4:
0xe: {  	s16 =	sshll.u32 s13, $0x3;
	s17 =	sand.u32 $0x78, s13  }
0xf: {  	s30 =	sand.u32 $0x1F800, s13;
	s12 =	sshll.u32 s12, $0x11;
	s16 =	sand.u32 $0x3C00, s16  }
0x10: {  	[tilespmem:s15+$0x810 ss:$0x81] =	vst.msk $0xffff, v2;
	s31 =	sand.u32 $0x7, s13;
	s16 =	sor.u32 s17, s16;
	s17 =	sadd.s32 s3, s30  }
0x11: {  	[tilespmem:s15+$0x1020 ss:$0x81] =	vst.msk $0xffff, v0;
	s13 =	sshll.u32 s31, $0x12;
	s12 =	sadd.s32 s12, s17;
	s16 =	sshrl.u32 s16, $0x3  }
0x12: {  	[tilespmem:s15+$0x0 ss:$0x81] =	vst.msk $0xffff, v1;
	s13 =	sor.u32 $0x400, s13;
	s12 =	sadd.s32 s16, s12  }
0x13: {  	[hbm4b:s12+s13] =	stream.strided.scatter [tilespmem:s14], [sflag:$0x2], $0x2000, s8, s13, $0x20;
	[tilespmem:$0x8080] =	vst v63  }
.LBB1_5:
0x14: {  	s14 =	sadd.s32 $0x1, s9  }
0x15: {  	s12 =	sadd.s32 $0x1000, s10;
	s16 =	smov.u32 s10;
	p2 =	sgt.s32 s14, $0x31  }
0x16: {  	s16 =	smov.u32 @p2 s12  }
0x17: {  	s14 =	simm.s32 @p2 $0x0;
	p2 =	sgt.s32 s16, $0x3FFF  }
0x18: {  	s16 =	smov.u32 @p2 s2;
	p2 =	sne.s32 s11, s7  }
.Ltmp1:
0x19: {  	p1 =	slt.u32 s11, $0x2;
	(pc) =	sbr.rel @!p2 .LBB1_6-.Ltmp1, $4  }
0x1a: {  	s15 =	simm.s32 @!p1 $0x2  }
0x1b: {  	s13 =	smov.u32 s10;
	p0 =	por !p0, !p0;
	_ =	swait.ge @!p1 [sflag:s15], $0x2000  }
0x1c: {  	s12 =	smov.u32 s9;
	[sflag:s15] =	ssyncset.done @!p1 $0x0;
	s9 =	smov.u32 s14  }
0x1d: {  	s11 =	sadd.s32 $0x1, s11;
	[sflag:s15] =	ssyncadd.s32 @!p1 $0xFFFFE000;
	s10 =	smov.u32 s16  }
.LBB1_1:
0x1e: {  	p1 =	sge.u32 s11, s5  }
0x1f: {  	s14 =	sand.u32 @!p1 $0x1FFFFFF, s9  }
0x20: {  	s15 =	smulhi.u32 @!p1 $0x4924925, s14;
	_ =	sdelay $0x1  }
0x21: {  	s15 =	smul.u32 @!p1 $0x38, s15  }
0x22: {  	s16 =	sxor.u32 @!p1 $0xFFFFFFFF, s11;
	s17 =	smul.u32 @!p1 $0x380, s10  }
0x23: {  	s31 =	sadd.s32 $0xFFFFFFFF, s11;
	s16 =	sshll.u32 @!p1 s16, $0xD;
	s14 =	ssub.s32 @!p1 s14, s15  }
0x24: {  	s15 =	sand.u32 @!p1 $0x2000, s16;
	s16 =	sadd.s32 @!p1 s6, s17;
	s14 =	sshll.u32 @!p1 s14, $0x4  }
0x25: {  	s17 =	simm.s32 @!p1 $0x1C00;
	s14 =	sadd.s32 @!p1 s14, s16;
	s16 =	simm.s32 @!p1 $0x40  }
0x26: {  	[tilespmem:s15], [sflag:$0x1] =	stream.strided.gather @!p1 [hbm4b:s14+s16], $0x2000, s17, s16, $0x38;
	[tilespmem:$0x8080] =	vst v63  }
0x27: {  	p1 =	sge.u32 s31, s5  }
.Ltmp2:
0x28: {  	_ = 	snop;
	(pc) =	sbr.rel @p1 .LBB1_5-.Ltmp2, $1  }
0x29: {  	_ =	sdelay $0x3  }
0x2a: {  	s14 =	simm.s32 $0x1  }
0x2b: {  	_ =	swait.ge [sflag:s4], $0x2000;
	s14 =	simm.s32 @!p0 $0x0  }
0x2c: {  	[sflag:s4] =	ssyncset.done $0x0;
	s15 =	sshll.u32 s14, $0xD  }
0x2d: {  	[sflag:s4] =	ssyncadd.s32 $0xFFFFE000;
	s18 =	sor.u32 $0x20, s15  }
0x2e: {  	s14 =	smul.u32 $0x8100, s14;
	v3 =	vld [tilespmem:s18+$0x10]  }
0x2f: {  	s30 =	sand.u32 $0x1, s11;
	v2 =	vld [tilespmem:s18+$0xFFFFFFF0]  }
0x30: {  	s15 =	smul.u32 $0x8100, s30;
	s14 =	sshrl.u32 s14, $0x2;
	v0 =	vld [tilespmem:s18+$0x0]  }
0x31: {  	v1 =	vld [tilespmem:s18+$0xFFFFFFE0];
	s16 =	sor.u32 $0x4000, s14  }
0x32: {  	s31 =	sshrl.u32 s15, $0x2;
	s15 =	sadd.s32 $0x0, s16  }
0x33: {  	s17 =	simm.s32 $0x4;
	s18 =	sadd.s32 $0x40, s18;
	s14 =	sor.u32 $0x4000, s31;
	[tilespmem:s15+$0x1830 ss:$0x81] =	vst.msk $0xffff, v3  }
.LBB1_3:
0x34: {  	v3 =	vld [tilespmem:s18+$0x10];
	p1 =	sne.s32 s17, $0x1FC;
	[tilespmem:s15+$0x810 ss:$0x81] =	vst.msk $0xffff, v2;
	s19 =	smov.u32 s17;
	s17 =	sadd.s32 $0x4, s17  }
.Ltmp3:
0x35: {  	v2 =	vld [tilespmem:s18+$0xFFFFFFF0];
	[tilespmem:s15+$0x1020 ss:$0x81] =	vst.msk $0xffff, v0;
	(pc) =	sbr.rel @p1 .LBB1_3-.Ltmp3, $4  }
0x36: {  	v0 =	vld [tilespmem:s18+$0x0];
	[tilespmem:s15+$0x0 ss:$0x81] =	vst.msk $0xffff, v1  }
0x37: {  	s15 =	sshra.s32 s19, $0x2;
	v1 =	vld [tilespmem:s18+$0xFFFFFFE0]  }
0x38: {  	s15 =	sadd.s32 s15, s16  }
0x39: {  	s18 =	sadd.s32 $0x40, s18;
	[tilespmem:s15+$0x1830 ss:$0x81] =	vst.msk $0xffff, v3  }
.Ltmp4:
0x3a: {  	_ = 	snop;
	(pc) =	sbr.rel .LBB1_4-.Ltmp4, $1  }
0x3b: {  	_ =	sdelay $0x3  }
.LBB1_6:
0x3c: {  	_ =	sfence.sel $0x180000  }
0x3d: {  	s2 =	simm.s32 $0x1;
	[bflag:$0x0] =	sbarrier.arrive $0xFFFF  }
0x3e: {  	s31 =	simm.s32 $0x2;
	[sflag:s2] =	ssyncpa.u1 $0x1  }
0x3f: {  	[sflag:s31] =	ssyncpa.u1 $0x1  }
0x40: {  	p0 =	sne.s32 s0, $0x0;
	_ =	strace $0x9000004A  }
0x41: {  	s0 =	sadd.s32 @!p0 $0x100000, s1;
	[bflag:$0x2] =	sbarrier.arrive $0xFFFF  }
0x42: {  	[sflag:s0] =	ssyncadd.tile.s32 @!p0 $0x1;
	_ =	shalt  }
.Lfunc_end1:
_tile_overlayer_lowered:
.L_overlay_start_2:
0x43: {  	(tag) =	ssettag $0x2  }
0x44: {  	s0 =	rddreg [dreg:$0x0];
	s2 =	stileid.u32  }
0x45: {  	s1 =	rddreg [dreg:$0x1];
	p0 =	sne.s32 s2, $0x0  }
0x46: {  	s3 =	rddreg [dreg:$0x2];
	[bflag:$0x3] =	sbarrier.arrive $0xFFFF;
	s2 =	simm.s32 @!p0 $0x1C01  }
0x47: {  	[timem:s3], [sflag:s2] =	dma.local @!p0 [hbm:s0], s1  }
0x48: {  	s0 =	simm.s32 @!p0 $0x1  }
0x49: {  	_ =	swait.ge @!p0 [sflag:s0], s1  }
0x4a: {  	s1 =	ssub.s32 @!p0 $0x0, s1;
	[sflag:s0] =	ssyncset.done @!p0 $0x0  }
0x4b: {  	[sflag:s0] =	ssyncadd.s32 @!p0 s1  }
0x4c: {  	[bflag:$0x3] =	sbarrier.arrive $0xFFFF  }
0x4d: {  	_ =	shalt  }

</sc_bundles>
